<compile_context>
chip_gen: v7x
topology: tpu7x:2x2x1
jax: 0.10.2.dev20260603
libtpu: 0.0.44.dev20260713+nightly
codegen_flags: <defaults>
</compile_context>

<pallas_src>
import functools

import jax
import jax.numpy as jnp
from jax import lax
from jax.experimental import pallas as pl
from jax.experimental.pallas import tpu as pltpu
from jax.experimental.pallas import tpu_sc as plsc

BLK = 512


def _pack_bf16(v16):
    xu = jax.lax.bitcast_convert_type(v16, jnp.uint16)
    Dh = xu.shape[1] // 2
    lo = xu[:, :Dh].astype(jnp.int32)
    hi = xu[:, Dh:].astype(jnp.int32)
    return lo | (hi << 16)


def _unpack_bf16(p):
    lo = jax.lax.bitcast_convert_type(
        (p & 0xFFFF).astype(jnp.uint16), jnp.bfloat16)
    hi = jax.lax.bitcast_convert_type(
        jax.lax.shift_right_logical(p, 16).astype(jnp.uint16), jnp.bfloat16)
    return jnp.concatenate([lo, hi], axis=1)


def _router_sort_body(x_ref, eps_ref, wgn_ref, bgn_ref, pos_ref, w_ref,
                      blk_ref, xp_ref):
    N, E = eps_ref.shape
    C = N // 4
    G = blk_ref.shape[1]

    xb = x_ref[...].astype(jnp.bfloat16)
    xp_ref[...] = _pack_bf16(xb)
    gn = jnp.dot(xb, wgn_ref[...],
                 preferred_element_type=jnp.float32) + bgn_ref[...]
    gate = gn[:, :E]
    noise = gn[:, E:]
    h = gate + eps_ref[...] * jax.nn.softplus(noise)
    m1 = jnp.max(h, axis=-1, keepdims=True)
    is1 = h == m1
    h2 = jnp.where(is1, -jnp.inf, h)
    m2 = jnp.max(h2, axis=-1, keepdims=True)
    is2 = h2 == m2

    ex2 = jnp.exp(m2 - m1)
    denom = 1.0 + ex2
    w_ref[:, 0:1] = 1.0 / denom
    w_ref[:, 1:2] = ex2 / denom

    O1 = is1.astype(jnp.float32)
    O2 = is2.astype(jnp.float32)

    tril = (jax.lax.broadcasted_iota(jnp.int32, (C, C), 0)
            >= jax.lax.broadcasted_iota(jnp.int32, (C, C), 1)
            ).astype(jnp.bfloat16)
    Ocs = [O[c * C:(c + 1) * C, :]
           for O in (O1, O2) for c in range(N // C)]
    Ocat = jnp.concatenate([o.astype(jnp.bfloat16) for o in Ocs], axis=1)
    Rall = jnp.dot(tril, Ocat, preferred_element_type=jnp.float32)
    chunks = []
    for i, Oc in enumerate(Ocs):
        Rc = Rall[:, i * E:(i + 1) * E]
        cnt = Rc[C - 1:C, :]
        rank = jnp.sum(Rc * Oc, axis=-1, keepdims=True)
        chunks.append((Oc, cnt, rank))

    counts = chunks[0][1]
    for _, cnt, _ in chunks[1:]:
        counts = counts + cnt

    nblk = (counts.astype(jnp.int32) + (BLK - 1)) // BLK
    sut = (jax.lax.broadcasted_iota(jnp.int32, (E, E), 0)
           < jax.lax.broadcasted_iota(jnp.int32, (E, E), 1)
           ).astype(jnp.bfloat16)
    blkoff = jnp.dot(nblk.astype(jnp.bfloat16), sut,
                     preferred_element_type=jnp.float32)
    seg_start = BLK * blkoff

    running = seg_start
    for i, (Oc, cnt, rank) in enumerate(chunks):
        pair_base = jnp.sum(Oc * running, axis=-1, keepdims=True)
        posc = (pair_base + rank - 1.0).astype(jnp.int32)
        k, c = divmod(i, N // C)
        pos_ref[k, pl.ds(c * C, C)] = jnp.transpose(posc)[0]
        running = running + cnt

    g_iota = jax.lax.broadcasted_iota(jnp.int32, (E, G), 1).astype(jnp.float32)
    ge = (g_iota >= jnp.transpose(blkoff)).astype(jnp.float32)
    blk_ref[0:1, :] = (jnp.sum(ge, axis=0, keepdims=True) - 1.0
                       ).astype(jnp.int32)
    total = jnp.sum(nblk.astype(jnp.float32), axis=-1, keepdims=True)
    blk_ref[1:2, :] = (g_iota[0:1, :] < total).astype(jnp.int32)


def _router_sort(xb16, eps, Wg, bg, Wnoise, bn, nrows):
    N, E = eps.shape
    D = xb16.shape[1]
    G = nrows // BLK
    wgn = jnp.concatenate([Wg, Wnoise], axis=1).astype(jnp.bfloat16)
    bgn = jnp.concatenate([bg, bn]).reshape(1, 2 * E)
    return pl.pallas_call(
        _router_sort_body,
        grid=(1,),
        in_specs=[
            pl.BlockSpec((N, D), lambda i: (0, 0)),
            pl.BlockSpec((N, E), lambda i: (0, 0)),
            pl.BlockSpec((D, 2 * E), lambda i: (0, 0)),
            pl.BlockSpec((1, 2 * E), lambda i: (0, 0)),
        ],
        out_specs=[
            pl.BlockSpec((2, N), lambda i: (0, 0)),
            pl.BlockSpec((N, 2), lambda i: (0, 0)),
            pl.BlockSpec((2, G), lambda i: (0, 0)),
            pl.BlockSpec((N, D // 2), lambda i: (0, 0)),
        ],
        out_shape=[
            jax.ShapeDtypeStruct((2, N), jnp.int32),
            jax.ShapeDtypeStruct((N, 2), jnp.float32),
            jax.ShapeDtypeStruct((2, G), jnp.int32),
            jax.ShapeDtypeStruct((N, D // 2), jnp.int32),
        ],
    )(xb16, eps, wgn, bgn)


def _sc_dispatch(xf, pos, nrows):
    N, D = xf.shape
    P = pos.shape[0]
    info = plsc.get_sparse_core_info()
    NC, NS = info.num_cores, info.num_subcores
    NW = NC * NS
    per_w = P // NW
    CH = 128
    NB = per_w // CH
    mesh = plsc.VectorSubcoreMesh(core_axis_name="c", subcore_axis_name="s")

    @functools.partial(
        pl.kernel, mesh=mesh,
        out_type=jax.ShapeDtypeStruct((nrows, D), jnp.int32),
        scratch_types=(
            [pltpu.VMEM((CH,), jnp.int32) for _ in range(NB)]
            + [pltpu.VMEM((CH, D), jnp.int32) for _ in range(2)]
            + [pltpu.SemaphoreType.DMA for _ in range(2)]
        ),
    )
    def disp(x_hbm, pos_hbm, buf_hbm, *scr):
        pos_v = scr[0:NB]
        rows_v = scr[NB:NB + 2]
        sem = scr[NB + 2:NB + 4]
        wid = lax.axis_index("s") * NC + lax.axis_index("c")
        base = wid * per_w

        def src(ch):
            return x_hbm.at[pl.ds(lax.rem(base + ch * CH, N), CH)]

        for ch in range(NB):
            pltpu.sync_copy(pos_hbm.at[pl.ds(base + ch * CH, CH)], pos_v[ch])
        for ch in range(min(2, NB)):
            pltpu.async_copy(src(ch), rows_v[ch], sem[ch])
        for ch in range(NB):
            s = ch % 2
            pltpu.make_async_copy(src(ch), rows_v[s], sem[s]).wait()
            pltpu.sync_copy(rows_v[s], buf_hbm.at[pos_v[ch]])
            if ch + 2 < NB:
                pltpu.async_copy(src(ch + 2), rows_v[s], sem[s])

    return disp(xf, pos)


def _grouped_mlp_body(exp_ref, val_ref, buf_ref, w1_ref, b1_ref, w2_ref,
                      b2_ref, y_ref):
    g = pl.program_id(0)

    @pl.when(val_ref[g] == 1)
    def _compute():
        xb = _unpack_bf16(buf_ref[...])
        hid = jax.nn.relu(
            jnp.dot(xb, w1_ref[0].astype(jnp.bfloat16),
                    preferred_element_type=jnp.float32)
            + b1_ref[0])
        eout = (jnp.dot(hid.astype(jnp.bfloat16),
                        w2_ref[0].astype(jnp.bfloat16),
                        preferred_element_type=jnp.float32) + b2_ref[0])
        y_ref[...] = _pack_bf16(eout.astype(jnp.bfloat16))


def _grouped_mlp(buf, blk_exp, blk_valid, W1, b1, W2, b2):
    E, D, H = W1.shape
    nrows = buf.shape[0]
    G = nrows // BLK
    grid_spec = pltpu.PrefetchScalarGridSpec(
        num_scalar_prefetch=2,
        grid=(G,),
        in_specs=[
            pl.BlockSpec((BLK, D // 2), lambda g, exp, val: (g, 0)),
            pl.BlockSpec((1, D, H), lambda g, exp, val: (exp[g], 0, 0)),
            pl.BlockSpec((1, 1, H), lambda g, exp, val: (exp[g], 0, 0)),
            pl.BlockSpec((1, H, D), lambda g, exp, val: (exp[g], 0, 0)),
            pl.BlockSpec((1, 1, D), lambda g, exp, val: (exp[g], 0, 0)),
        ],
        out_specs=pl.BlockSpec((BLK, D // 2), lambda g, exp, val: (g, 0)),
    )
    return pl.pallas_call(
        _grouped_mlp_body,
        grid_spec=grid_spec,
        out_shape=jax.ShapeDtypeStruct((nrows, D // 2), jnp.int32),
    )(blk_exp, blk_valid, buf, W1, b1.reshape(E, 1, H), W2,
      b2.reshape(E, 1, D))


def _sc_combine_gather(y, pos, n):
    D = y.shape[1]
    info = plsc.get_sparse_core_info()
    NC, NS = info.num_cores, info.num_subcores
    NW = NC * NS
    per_w = n // NW
    CH = 128
    NB = 2 * (per_w // CH)
    mesh = plsc.VectorSubcoreMesh(core_axis_name="c", subcore_axis_name="s")

    @functools.partial(
        pl.kernel, mesh=mesh,
        out_type=(jax.ShapeDtypeStruct((n, D), jnp.int32),
                  jax.ShapeDtypeStruct((n, D), jnp.int32)),
        scratch_types=(
            [pltpu.VMEM((CH,), jnp.int32) for _ in range(NB)]
            + [pltpu.VMEM((CH, D), jnp.int32) for _ in range(2)]
            + [pltpu.SemaphoreType.DMA for _ in range(2)]
        ),
    )
    def comb(y_hbm, pos_hbm, y0_hbm, y1_hbm, *scr):
        idx_v = scr[0:NB]
        rows_v = scr[NB:NB + 2]
        sem = scr[NB + 2:NB + 4]
        wid = lax.axis_index("s") * NC + lax.axis_index("c")
        base = wid * per_w
        nch = per_w // CH
        xfers = [(k, ch) for k in range(2) for ch in range(nch)]
        for t, (k, ch) in enumerate(xfers):
            pltpu.sync_copy(
                pos_hbm.at[pl.ds(k * n + base + ch * CH, CH)], idx_v[t])
        for t in range(min(2, NB)):
            pltpu.async_copy(y_hbm.at[idx_v[t]], rows_v[t], sem[t])
        for t, (k, ch) in enumerate(xfers):
            s = t % 2
            dst = y0_hbm if k == 0 else y1_hbm
            pltpu.make_async_copy(y_hbm.at[idx_v[t]], rows_v[s], sem[s],
                                  ).wait()
            pltpu.sync_copy(rows_v[s], dst.at[pl.ds(base + ch * CH, CH)])
            if t + 2 < NB:
                pltpu.async_copy(y_hbm.at[idx_v[t + 2]], rows_v[s], sem[s])

    return comb(y, pos)


def _combine_body(w_ref, y0_ref, y1_ref, out_ref):
    y0 = _unpack_bf16(y0_ref[...]).astype(jnp.float32)
    y1 = _unpack_bf16(y1_ref[...]).astype(jnp.float32)
    out_ref[...] = w_ref[:, 0:1] * y0 + w_ref[:, 1:2] * y1


def _combine(w, y0, y1, D):
    N = y0.shape[0]
    T = 2048
    return pl.pallas_call(
        _combine_body,
        grid=(N // T,),
        in_specs=[
            pl.BlockSpec((T, 2), lambda t: (t, 0)),
            pl.BlockSpec((T, D // 2), lambda t: (t, 0)),
            pl.BlockSpec((T, D // 2), lambda t: (t, 0)),
        ],
        out_specs=pl.BlockSpec((T, D), lambda t: (t, 0)),
        out_shape=jax.ShapeDtypeStruct((N, D), jnp.float32),
    )(w, y0, y1)


def kernel(x, Wg, bg, Wnoise, bn, W1, b1, W2, b2):
    B, S, D = x.shape
    E = Wg.shape[1]
    N = B * S
    P = 2 * N
    nrows = P + E * BLK

    xf = x.reshape(N, D)
    eps = jax.random.normal(jax.random.key(42), (B, S, E),
                            dtype=x.dtype).reshape(N, E)

    pos2n, w, blk, xp = _router_sort(xf, eps, Wg, bg, Wnoise, bn, nrows)
    pos = pos2n.reshape(P)

    buf = _sc_dispatch(xp, pos, nrows)
    y = _grouped_mlp(buf, blk[0], blk[1], W1, b1, W2, b2)
    y0, y1 = _sc_combine_gather(y, pos, N)
    out = _combine(w, y0, y1, D)
    return out.reshape(B, S, D)

# --- scband reference (transcript-rebuilt; emitter-appended) ---
"""Pipeline reference for scband-mo-e-13245679141624 (READ-ONLY COPY).

The authoritative reference and input builder live on the scoring server;
editing this copy changes nothing except your own understanding.
"""

import jax, jax.numpy as jnp
import numpy as np

N_EMBED = 768
N_EXPERTS = 8
N_HIDDEN = 768
TOP_K = 2
B, S = 2, 2048


def setup_inputs(seed: int = 0) -> dict:
    key = jax.random.key(seed)
    ks = jax.random.split(key, 10)
    x = jax.random.normal(ks[0], (B, S, N_EMBED), dtype=jnp.float32)
    Wg = jax.random.normal(ks[1], (N_EMBED, N_EXPERTS), dtype=jnp.float32) * 0.02
    bg = jnp.zeros((N_EXPERTS,), dtype=jnp.float32)
    Wnoise = jax.random.normal(ks[2], (N_EMBED, N_EXPERTS), dtype=jnp.float32) * 0.02
    bn = jnp.zeros((N_EXPERTS,), dtype=jnp.float32)
    W1 = jax.random.normal(ks[3], (N_EXPERTS, N_EMBED, N_HIDDEN), dtype=jnp.float32) * 0.02
    b1 = jnp.zeros((N_EXPERTS, N_HIDDEN), dtype=jnp.float32)
    W2 = jax.random.normal(ks[4], (N_EXPERTS, N_HIDDEN, N_EMBED), dtype=jnp.float32) * 0.02
    b2 = jnp.zeros((N_EXPERTS, N_EMBED), dtype=jnp.float32)
    return {"x": x, "Wg": Wg, "bg": bg, "Wnoise": Wnoise, "bn": bn, "W1": W1, "b1": b1, "W2": W2, "b2": b2}


def reference(x, Wg, bg, Wnoise, bn, W1, b1, W2, b2):
    # NoisyTopKGating
    gate = x @ Wg + bg                      # [B, S, E]
    noise = x @ Wnoise + bn                 # [B, S, E]
    eps = jax.random.normal(jax.random.key(42), noise.shape, dtype=noise.dtype)
    h = gate + eps * jax.nn.softplus(noise)
    topk_vals, topk_idx = jax.lax.top_k(h, TOP_K)
    Bd, Sd, E = h.shape
    g = jnp.full(h.shape, -jnp.inf, dtype=h.dtype)
    bi = jnp.arange(Bd)[:, None, None]
    si = jnp.arange(Sd)[None, :, None]
    g = g.at[bi, si, topk_idx].set(topk_vals)
    scores = jax.nn.softmax(g, axis=-1)     # zeros except at top-k positions

    # Experts: math identical to masked routing since scores are exactly 0
    # for non-selected experts (exp(-inf) = 0). Dropout p=0 -> identity.
    hidden = jax.nn.relu(jnp.einsum('bsd,edh->besh', x, W1) + b1[None, :, None, :])
    eout = jnp.einsum('besh,ehd->besd', hidden, W2) + b2[None, :, None, :]
    out = jnp.einsum('besd,bse->bsd', eout, scores)
    return out

if __name__ == "__main__":
    import jax
    _d = setup_inputs()
    print(jax.jit(kernel)(*tuple(_d.values())))

</pallas_src>

<mosaic_0001>
#map = affine_map<(d0, d1) -> (0, 0)>
#map1 = affine_map<(d0, d1) -> (0)>
module attributes {stable_mosaic.version = 14 : i64} {
  func.func @comb(%arg0: i32, %arg1: i32, %arg2: memref<12288x384xi32, #tpu.memory_space<hbm>>, %arg3: memref<8192xi32, #tpu.memory_space<hbm>>, %arg4: memref<4096x384xi32, #tpu.memory_space<hbm>>, %arg5: memref<4096x384xi32, #tpu.memory_space<hbm>>, %arg6: memref<128xi32, #tpu.memory_space<vmem>>, %arg7: memref<128xi32, #tpu.memory_space<vmem>>, %arg8: memref<128x384xi32, #tpu.memory_space<vmem>>, %arg9: memref<128x384xi32, #tpu.memory_space<vmem>>, %arg10: memref<!tpu.dma_semaphore, #tpu.memory_space<semaphore_mem>>, %arg11: memref<!tpu.dma_semaphore, #tpu.memory_space<semaphore_mem>>) attributes {dimension_semantics = [#tpu.dimension_semantics<core_parallel>, #tpu.dimension_semantics<subcore_parallel>], iteration_bounds = array<i64: 2, 16>, scalar_prefetch = 0 : i64, scratch_operands = 6 : i64, tpu.core_type = #tpu.core_type<sc_vector_subcore>, window_params = [{transform_indices = #map}, {transform_indices = #map1}, {transform_indices = #map}, {transform_indices = #map}]} {
    %mul3A = arith.constant 2 : i32
    %mul3A_0 = arith.muli %arg1, %mul3A : i32
    %add3A = arith.addi %mul3A_0, %arg0 : i32
    %mul3A_1 = arith.constant 128 : i32
    %mul3A_2 = arith.muli %add3A, %mul3A_1 : i32
    %add3A_3 = arith.constant 0 : i32
    %add3A_4 = arith.addi %add3A_3, %mul3A_2 : i32
    %add3A_5 = arith.constant 0 : i32
    %add3A_6 = arith.addi %add3A_4, %add3A_5 : i32
    "tpu.region"() ({
      %run_scoped3A = tpu.sem_alloc : memref<!tpu.dma_semaphore, #tpu.memory_space<semaphore_mem>>
      %dma_start3A_25 = tpu.memref_slice %arg3[%add3A_6] : memref<8192xi32, #tpu.memory_space<hbm>> -> memref<128xi32, #tpu.memory_space<hbm>>
      %dma_start3A_26 = tpu.memref_slice %arg3[%add3A_6] : memref<8192xi32, #tpu.memory_space<hbm>> -> memref<128xi32, #tpu.memory_space<hbm>>
      tpu.enqueue_dma source(%dma_start3A_26 : memref<128xi32, #tpu.memory_space<hbm>>) target(%arg6 : memref<128xi32, #tpu.memory_space<vmem>>) target_semaphore(%run_scoped3A : memref<!tpu.dma_semaphore, #tpu.memory_space<semaphore_mem>>)
      %dma_wait3A_27 = tpu.memref_slice %arg3[%add3A_6] : memref<8192xi32, #tpu.memory_space<hbm>> -> memref<128xi32, #tpu.memory_space<hbm>>
      %dma_wait3A_28 = tpu.memref_slice %arg3[%add3A_6] : memref<8192xi32, #tpu.memory_space<hbm>> -> memref<128xi32, #tpu.memory_space<hbm>>
      tpu.wait_dma2 semaphore(%run_scoped3A : memref<!tpu.dma_semaphore, #tpu.memory_space<semaphore_mem>>) src(%dma_wait3A_28 : memref<128xi32, #tpu.memory_space<hbm>>) dst(%arg6 : memref<128xi32, #tpu.memory_space<vmem>>)
      tpu.yield
    }) : () -> ()
    %add3A_7 = arith.constant 4096 : i32
    %add3A_8 = arith.addi %add3A_7, %mul3A_2 : i32
    %add3A_9 = arith.constant 0 : i32
    %add3A_10 = arith.addi %add3A_8, %add3A_9 : i32
    "tpu.region"() ({
      %run_scoped3A = tpu.sem_alloc : memref<!tpu.dma_semaphore, #tpu.memory_space<semaphore_mem>>
      %dma_start3A_25 = tpu.memref_slice %arg3[%add3A_10] : memref<8192xi32, #tpu.memory_space<hbm>> -> memref<128xi32, #tpu.memory_space<hbm>>
      %dma_start3A_26 = tpu.memref_slice %arg3[%add3A_10] : memref<8192xi32, #tpu.memory_space<hbm>> -> memref<128xi32, #tpu.memory_space<hbm>>
      tpu.enqueue_dma source(%dma_start3A_26 : memref<128xi32, #tpu.memory_space<hbm>>) target(%arg7 : memref<128xi32, #tpu.memory_space<vmem>>) target_semaphore(%run_scoped3A : memref<!tpu.dma_semaphore, #tpu.memory_space<semaphore_mem>>)
      %dma_wait3A_27 = tpu.memref_slice %arg3[%add3A_10] : memref<8192xi32, #tpu.memory_space<hbm>> -> memref<128xi32, #tpu.memory_space<hbm>>
      %dma_wait3A_28 = tpu.memref_slice %arg3[%add3A_10] : memref<8192xi32, #tpu.memory_space<hbm>> -> memref<128xi32, #tpu.memory_space<hbm>>
      tpu.wait_dma2 semaphore(%run_scoped3A : memref<!tpu.dma_semaphore, #tpu.memory_space<semaphore_mem>>) src(%dma_wait3A_28 : memref<128xi32, #tpu.memory_space<hbm>>) dst(%arg7 : memref<128xi32, #tpu.memory_space<vmem>>)
      tpu.yield
    }) : () -> ()
    %dma_start3A = arith.constant 0 : i32
    %dma_start3A_11 = arith.constant 0 : i32
    %dma_start3A_12 = tpu.memref_slice %arg2[%dma_start3A, %dma_start3A_11] : memref<12288x384xi32, #tpu.memory_space<hbm>> -> memref<12288x384xi32, #tpu.memory_space<hbm>>
    tpu.enqueue_indirect_dma source(%dma_start3A_12 : memref<12288x384xi32, #tpu.memory_space<hbm>>) target(%arg8 : memref<128x384xi32, #tpu.memory_space<vmem>>) offsets(%arg6 : memref<128xi32, #tpu.memory_space<vmem>>) semaphore(%arg10 : memref<!tpu.dma_semaphore, #tpu.memory_space<semaphore_mem>>)
    %dma_start3A_13 = arith.constant 0 : i32
    %dma_start3A_14 = arith.constant 0 : i32
    %dma_start3A_15 = tpu.memref_slice %arg2[%dma_start3A_13, %dma_start3A_14] : memref<12288x384xi32, #tpu.memory_space<hbm>> -> memref<12288x384xi32, #tpu.memory_space<hbm>>
    tpu.enqueue_indirect_dma source(%dma_start3A_15 : memref<12288x384xi32, #tpu.memory_space<hbm>>) target(%arg9 : memref<128x384xi32, #tpu.memory_space<vmem>>) offsets(%arg7 : memref<128xi32, #tpu.memory_space<vmem>>) semaphore(%arg11 : memref<!tpu.dma_semaphore, #tpu.memory_space<semaphore_mem>>)
    %dma_wait3A = arith.constant 0 : i32
    %dma_wait3A_16 = arith.constant 0 : i32
    %dma_wait3A_17 = tpu.memref_slice %arg2[%dma_wait3A, %dma_wait3A_16] : memref<12288x384xi32, #tpu.memory_space<hbm>> -> memref<12288x384xi32, #tpu.memory_space<hbm>>
    tpu.wait_indirect_dma semaphore(%arg10 : memref<!tpu.dma_semaphore, #tpu.memory_space<semaphore_mem>>) src(%dma_wait3A_17 : memref<12288x384xi32, #tpu.memory_space<hbm>>) dst(%arg8 : memref<128x384xi32, #tpu.memory_space<vmem>>)
    %add3A_18 = arith.constant 0 : i32
    %add3A_19 = arith.addi %mul3A_2, %add3A_18 : i32
    "tpu.region"() ({
      %run_scoped3A = tpu.sem_alloc : memref<!tpu.dma_semaphore, #tpu.memory_space<semaphore_mem>>
      %dma_start3A_25 = arith.constant 0 : i32
      %dma_start3A_26 = tpu.memref_slice %arg4[%add3A_19, %dma_start3A_25] : memref<4096x384xi32, #tpu.memory_space<hbm>> -> memref<128x384xi32, #tpu.memory_space<hbm>>
      %dma_start3A_27 = arith.constant 0 : i32
      %dma_start3A_28 = tpu.memref_slice %arg4[%add3A_19, %dma_start3A_27] : memref<4096x384xi32, #tpu.memory_space<hbm>> -> memref<128x384xi32, #tpu.memory_space<hbm>>
      tpu.enqueue_dma source(%arg8 : memref<128x384xi32, #tpu.memory_space<vmem>>) target(%dma_start3A_28 : memref<128x384xi32, #tpu.memory_space<hbm>>) target_semaphore(%run_scoped3A : memref<!tpu.dma_semaphore, #tpu.memory_space<semaphore_mem>>)
      %dma_wait3A_29 = arith.constant 0 : i32
      %dma_wait3A_30 = tpu.memref_slice %arg4[%add3A_19, %dma_wait3A_29] : memref<4096x384xi32, #tpu.memory_space<hbm>> -> memref<128x384xi32, #tpu.memory_space<hbm>>
      %dma_wait3A_31 = arith.constant 0 : i32
      %dma_wait3A_32 = tpu.memref_slice %arg4[%add3A_19, %dma_wait3A_31] : memref<4096x384xi32, #tpu.memory_space<hbm>> -> memref<128x384xi32, #tpu.memory_space<hbm>>
      tpu.wait_dma2 semaphore(%run_scoped3A : memref<!tpu.dma_semaphore, #tpu.memory_space<semaphore_mem>>) src(%arg8 : memref<128x384xi32, #tpu.memory_space<vmem>>) dst(%dma_wait3A_32 : memref<128x384xi32, #tpu.memory_space<hbm>>)
      tpu.yield
    }) : () -> ()
    %dma_wait3A_20 = arith.constant 0 : i32
    %dma_wait3A_21 = arith.constant 0 : i32
    %dma_wait3A_22 = tpu.memref_slice %arg2[%dma_wait3A_20, %dma_wait3A_21] : memref<12288x384xi32, #tpu.memory_space<hbm>> -> memref<12288x384xi32, #tpu.memory_space<hbm>>
    tpu.wait_indirect_dma semaphore(%arg11 : memref<!tpu.dma_semaphore, #tpu.memory_space<semaphore_mem>>) src(%dma_wait3A_22 : memref<12288x384xi32, #tpu.memory_space<hbm>>) dst(%arg9 : memref<128x384xi32, #tpu.memory_space<vmem>>)
    %add3A_23 = arith.constant 0 : i32
    %add3A_24 = arith.addi %mul3A_2, %add3A_23 : i32
    "tpu.region"() ({
      %run_scoped3A = tpu.sem_alloc : memref<!tpu.dma_semaphore, #tpu.memory_space<semaphore_mem>>
      %dma_start3A_25 = arith.constant 0 : i32
      %dma_start3A_26 = tpu.memref_slice %arg5[%add3A_24, %dma_start3A_25] : memref<4096x384xi32, #tpu.memory_space<hbm>> -> memref<128x384xi32, #tpu.memory_space<hbm>>
      %dma_start3A_27 = arith.constant 0 : i32
      %dma_start3A_28 = tpu.memref_slice %arg5[%add3A_24, %dma_start3A_27] : memref<4096x384xi32, #tpu.memory_space<hbm>> -> memref<128x384xi32, #tpu.memory_space<hbm>>
      tpu.enqueue_dma source(%arg9 : memref<128x384xi32, #tpu.memory_space<vmem>>) target(%dma_start3A_28 : memref<128x384xi32, #tpu.memory_space<hbm>>) target_semaphore(%run_scoped3A : memref<!tpu.dma_semaphore, #tpu.memory_space<semaphore_mem>>)
      %dma_wait3A_29 = arith.constant 0 : i32
      %dma_wait3A_30 = tpu.memref_slice %arg5[%add3A_24, %dma_wait3A_29] : memref<4096x384xi32, #tpu.memory_space<hbm>> -> memref<128x384xi32, #tpu.memory_space<hbm>>
      %dma_wait3A_31 = arith.constant 0 : i32
      %dma_wait3A_32 = tpu.memref_slice %arg5[%add3A_24, %dma_wait3A_31] : memref<4096x384xi32, #tpu.memory_space<hbm>> -> memref<128x384xi32, #tpu.memory_space<hbm>>
      tpu.wait_dma2 semaphore(%run_scoped3A : memref<!tpu.dma_semaphore, #tpu.memory_space<semaphore_mem>>) src(%arg9 : memref<128x384xi32, #tpu.memory_space<vmem>>) dst(%dma_wait3A_32 : memref<128x384xi32, #tpu.memory_space<hbm>>)
      tpu.yield
    }) : () -> ()
    return
  }
}

#map = affine_map<(d0, d1) -> (0, 0)>
#map1 = affine_map<(d0, d1) -> (0)>
module attributes {stable_mosaic.version = 14 : i64} {
  func.func @disp(%arg0: i32, %arg1: i32, %arg2: memref<4096x384xi32, #tpu.memory_space<hbm>>, %arg3: memref<8192xi32, #tpu.memory_space<hbm>>, %arg4: memref<12288x384xi32, #tpu.memory_space<hbm>>, %arg5: memref<128xi32, #tpu.memory_space<vmem>>, %arg6: memref<128xi32, #tpu.memory_space<vmem>>, %arg7: memref<128x384xi32, #tpu.memory_space<vmem>>, %arg8: memref<128x384xi32, #tpu.memory_space<vmem>>, %arg9: memref<!tpu.dma_semaphore, #tpu.memory_space<semaphore_mem>>, %arg10: memref<!tpu.dma_semaphore, #tpu.memory_space<semaphore_mem>>) attributes {dimension_semantics = [#tpu.dimension_semantics<core_parallel>, #tpu.dimension_semantics<subcore_parallel>], iteration_bounds = array<i64: 2, 16>, scalar_prefetch = 0 : i64, scratch_operands = 6 : i64, tpu.core_type = #tpu.core_type<sc_vector_subcore>, window_params = [{transform_indices = #map}, {transform_indices = #map1}, {transform_indices = #map}]} {
    %mul3A = arith.constant 2 : i32
    %mul3A_0 = arith.muli %arg1, %mul3A : i32
    %add3A = arith.addi %mul3A_0, %arg0 : i32
    %mul3A_1 = arith.constant 256 : i32
    %mul3A_2 = arith.muli %add3A, %mul3A_1 : i32
    %add3A_3 = arith.constant 0 : i32
    %add3A_4 = arith.addi %mul3A_2, %add3A_3 : i32
    "tpu.region"() ({
      %run_scoped3A = tpu.sem_alloc : memref<!tpu.dma_semaphore, #tpu.memory_space<semaphore_mem>>
      %dma_start3A_36 = tpu.memref_slice %arg3[%add3A_4] : memref<8192xi32, #tpu.memory_space<hbm>> -> memref<128xi32, #tpu.memory_space<hbm>>
      %dma_start3A_37 = tpu.memref_slice %arg3[%add3A_4] : memref<8192xi32, #tpu.memory_space<hbm>> -> memref<128xi32, #tpu.memory_space<hbm>>
      tpu.enqueue_dma source(%dma_start3A_37 : memref<128xi32, #tpu.memory_space<hbm>>) target(%arg5 : memref<128xi32, #tpu.memory_space<vmem>>) target_semaphore(%run_scoped3A : memref<!tpu.dma_semaphore, #tpu.memory_space<semaphore_mem>>)
      %dma_wait3A_38 = tpu.memref_slice %arg3[%add3A_4] : memref<8192xi32, #tpu.memory_space<hbm>> -> memref<128xi32, #tpu.memory_space<hbm>>
      %dma_wait3A_39 = tpu.memref_slice %arg3[%add3A_4] : memref<8192xi32, #tpu.memory_space<hbm>> -> memref<128xi32, #tpu.memory_space<hbm>>
      tpu.wait_dma2 semaphore(%run_scoped3A : memref<!tpu.dma_semaphore, #tpu.memory_space<semaphore_mem>>) src(%dma_wait3A_39 : memref<128xi32, #tpu.memory_space<hbm>>) dst(%arg5 : memref<128xi32, #tpu.memory_space<vmem>>)
      tpu.yield
    }) : () -> ()
    %add3A_5 = arith.constant 128 : i32
    %add3A_6 = arith.addi %mul3A_2, %add3A_5 : i32
    "tpu.region"() ({
      %run_scoped3A = tpu.sem_alloc : memref<!tpu.dma_semaphore, #tpu.memory_space<semaphore_mem>>
      %dma_start3A_36 = tpu.memref_slice %arg3[%add3A_6] : memref<8192xi32, #tpu.memory_space<hbm>> -> memref<128xi32, #tpu.memory_space<hbm>>
      %dma_start3A_37 = tpu.memref_slice %arg3[%add3A_6] : memref<8192xi32, #tpu.memory_space<hbm>> -> memref<128xi32, #tpu.memory_space<hbm>>
      tpu.enqueue_dma source(%dma_start3A_37 : memref<128xi32, #tpu.memory_space<hbm>>) target(%arg6 : memref<128xi32, #tpu.memory_space<vmem>>) target_semaphore(%run_scoped3A : memref<!tpu.dma_semaphore, #tpu.memory_space<semaphore_mem>>)
      %dma_wait3A_38 = tpu.memref_slice %arg3[%add3A_6] : memref<8192xi32, #tpu.memory_space<hbm>> -> memref<128xi32, #tpu.memory_space<hbm>>
      %dma_wait3A_39 = tpu.memref_slice %arg3[%add3A_6] : memref<8192xi32, #tpu.memory_space<hbm>> -> memref<128xi32, #tpu.memory_space<hbm>>
      tpu.wait_dma2 semaphore(%run_scoped3A : memref<!tpu.dma_semaphore, #tpu.memory_space<semaphore_mem>>) src(%dma_wait3A_39 : memref<128xi32, #tpu.memory_space<hbm>>) dst(%arg6 : memref<128xi32, #tpu.memory_space<vmem>>)
      tpu.yield
    }) : () -> ()
    %add3A_7 = arith.constant 0 : i32
    %add3A_8 = arith.addi %mul3A_2, %add3A_7 : i32
    %rem3A = arith.constant 4096 : i32
    %rem3A_9 = arith.remsi %add3A_8, %rem3A : i32
    %dma_start3A = arith.constant 0 : i32
    %dma_start3A_10 = tpu.memref_slice %arg2[%rem3A_9, %dma_start3A] : memref<4096x384xi32, #tpu.memory_space<hbm>> -> memref<128x384xi32, #tpu.memory_space<hbm>>
    %dma_start3A_11 = arith.constant 0 : i32
    %dma_start3A_12 = tpu.memref_slice %arg2[%rem3A_9, %dma_start3A_11] : memref<4096x384xi32, #tpu.memory_space<hbm>> -> memref<128x384xi32, #tpu.memory_space<hbm>>
    tpu.enqueue_dma source(%dma_start3A_12 : memref<128x384xi32, #tpu.memory_space<hbm>>) target(%arg7 : memref<128x384xi32, #tpu.memory_space<vmem>>) target_semaphore(%arg9 : memref<!tpu.dma_semaphore, #tpu.memory_space<semaphore_mem>>)
    %add3A_13 = arith.constant 128 : i32
    %add3A_14 = arith.addi %mul3A_2, %add3A_13 : i32
    %rem3A_15 = arith.constant 4096 : i32
    %rem3A_16 = arith.remsi %add3A_14, %rem3A_15 : i32
    %dma_start3A_17 = arith.constant 0 : i32
    %dma_start3A_18 = tpu.memref_slice %arg2[%rem3A_16, %dma_start3A_17] : memref<4096x384xi32, #tpu.memory_space<hbm>> -> memref<128x384xi32, #tpu.memory_space<hbm>>
    %dma_start3A_19 = arith.constant 0 : i32
    %dma_start3A_20 = tpu.memref_slice %arg2[%rem3A_16, %dma_start3A_19] : memref<4096x384xi32, #tpu.memory_space<hbm>> -> memref<128x384xi32, #tpu.memory_space<hbm>>
    tpu.enqueue_dma source(%dma_start3A_20 : memref<128x384xi32, #tpu.memory_space<hbm>>) target(%arg8 : memref<128x384xi32, #tpu.memory_space<vmem>>) target_semaphore(%arg10 : memref<!tpu.dma_semaphore, #tpu.memory_space<semaphore_mem>>)
    %add3A_21 = arith.constant 0 : i32
    %add3A_22 = arith.addi %mul3A_2, %add3A_21 : i32
    %rem3A_23 = arith.constant 4096 : i32
    %rem3A_24 = arith.remsi %add3A_22, %rem3A_23 : i32
    %dma_wait3A = arith.constant 0 : i32
    %dma_wait3A_25 = tpu.memref_slice %arg2[%rem3A_24, %dma_wait3A] : memref<4096x384xi32, #tpu.memory_space<hbm>> -> memref<128x384xi32, #tpu.memory_space<hbm>>
    %dma_wait3A_26 = arith.constant 0 : i32
    %dma_wait3A_27 = tpu.memref_slice %arg2[%rem3A_24, %dma_wait3A_26] : memref<4096x384xi32, #tpu.memory_space<hbm>> -> memref<128x384xi32, #tpu.memory_space<hbm>>
    tpu.wait_dma2 semaphore(%arg9 : memref<!tpu.dma_semaphore, #tpu.memory_space<semaphore_mem>>) src(%dma_wait3A_27 : memref<128x384xi32, #tpu.memory_space<hbm>>) dst(%arg7 : memref<128x384xi32, #tpu.memory_space<vmem>>)
    "tpu.region"() ({
      %run_scoped3A = tpu.sem_alloc : memref<!tpu.dma_semaphore, #tpu.memory_space<semaphore_mem>>
      %dma_start3A_36 = arith.constant 0 : i32
      %dma_start3A_37 = arith.constant 0 : i32
      %dma_start3A_38 = tpu.memref_slice %arg4[%dma_start3A_36, %dma_start3A_37] : memref<12288x384xi32, #tpu.memory_space<hbm>> -> memref<12288x384xi32, #tpu.memory_space<hbm>>
      tpu.enqueue_indirect_dma source(%arg7 : memref<128x384xi32, #tpu.memory_space<vmem>>) target(%dma_start3A_38 : memref<12288x384xi32, #tpu.memory_space<hbm>>) offsets(%arg5 : memref<128xi32, #tpu.memory_space<vmem>>) semaphore(%run_scoped3A : memref<!tpu.dma_semaphore, #tpu.memory_space<semaphore_mem>>)
      %dma_wait3A_39 = arith.constant 0 : i32
      %dma_wait3A_40 = arith.constant 0 : i32
      %dma_wait3A_41 = tpu.memref_slice %arg4[%dma_wait3A_39, %dma_wait3A_40] : memref<12288x384xi32, #tpu.memory_space<hbm>> -> memref<12288x384xi32, #tpu.memory_space<hbm>>
      tpu.wait_indirect_dma semaphore(%run_scoped3A : memref<!tpu.dma_semaphore, #tpu.memory_space<semaphore_mem>>) src(%arg7 : memref<128x384xi32, #tpu.memory_space<vmem>>) dst(%dma_wait3A_41 : memref<12288x384xi32, #tpu.memory_space<hbm>>)
      tpu.yield
    }) : () -> ()
    %add3A_28 = arith.constant 128 : i32
    %add3A_29 = arith.addi %mul3A_2, %add3A_28 : i32
    %rem3A_30 = arith.constant 4096 : i32
    %rem3A_31 = arith.remsi %add3A_29, %rem3A_30 : i32
    %dma_wait3A_32 = arith.constant 0 : i32
    %dma_wait3A_33 = tpu.memref_slice %arg2[%rem3A_31, %dma_wait3A_32] : memref<4096x384xi32, #tpu.memory_space<hbm>> -> memref<128x384xi32, #tpu.memory_space<hbm>>
    %dma_wait3A_34 = arith.constant 0 : i32
    %dma_wait3A_35 = tpu.memref_slice %arg2[%rem3A_31, %dma_wait3A_34] : memref<4096x384xi32, #tpu.memory_space<hbm>> -> memref<128x384xi32, #tpu.memory_space<hbm>>
    tpu.wait_dma2 semaphore(%arg10 : memref<!tpu.dma_semaphore, #tpu.memory_space<semaphore_mem>>) src(%dma_wait3A_35 : memref<128x384xi32, #tpu.memory_space<hbm>>) dst(%arg8 : memref<128x384xi32, #tpu.memory_space<vmem>>)
    "tpu.region"() ({
      %run_scoped3A = tpu.sem_alloc : memref<!tpu.dma_semaphore, #tpu.memory_space<semaphore_mem>>
      %dma_start3A_36 = arith.constant 0 : i32
      %dma_start3A_37 = arith.constant 0 : i32
      %dma_start3A_38 = tpu.memref_slice %arg4[%dma_start3A_36, %dma_start3A_37] : memref<12288x384xi32, #tpu.memory_space<hbm>> -> memref<12288x384xi32, #tpu.memory_space<hbm>>
      tpu.enqueue_indirect_dma source(%arg8 : memref<128x384xi32, #tpu.memory_space<vmem>>) target(%dma_start3A_38 : memref<12288x384xi32, #tpu.memory_space<hbm>>) offsets(%arg6 : memref<128xi32, #tpu.memory_space<vmem>>) semaphore(%run_scoped3A : memref<!tpu.dma_semaphore, #tpu.memory_space<semaphore_mem>>)
      %dma_wait3A_39 = arith.constant 0 : i32
      %dma_wait3A_40 = arith.constant 0 : i32
      %dma_wait3A_41 = tpu.memref_slice %arg4[%dma_wait3A_39, %dma_wait3A_40] : memref<12288x384xi32, #tpu.memory_space<hbm>> -> memref<12288x384xi32, #tpu.memory_space<hbm>>
      tpu.wait_indirect_dma semaphore(%run_scoped3A : memref<!tpu.dma_semaphore, #tpu.memory_space<semaphore_mem>>) src(%arg8 : memref<128x384xi32, #tpu.memory_space<vmem>>) dst(%dma_wait3A_41 : memref<12288x384xi32, #tpu.memory_space<hbm>>)
      tpu.yield
    }) : () -> ()
    return
  }
}

module attributes {stable_mosaic.version = 14 : i64} {
  func.func @_router_sort_body(%arg0: i32, %arg1: memref<4096x768xf32, #tpu.memory_space<vmem>>, %arg2: memref<4096x8xf32, #tpu.memory_space<vmem>>, %arg3: memref<768x16xbf16, #tpu.memory_space<vmem>>, %arg4: memref<1x16xf32, #tpu.memory_space<vmem>>, %arg5: memref<2x4096xi32, #tpu.memory_space<vmem>>, %arg6: memref<4096x2xf32, #tpu.memory_space<vmem>>, %arg7: memref<2x24xi32, #tpu.memory_space<vmem>>, %arg8: memref<4096x384xi32, #tpu.memory_space<vmem>>) attributes {dimension_semantics = [#tpu.dimension_semantics<arbitrary>], iteration_bounds = array<i64: 1>, scalar_prefetch = 0 : i64, scratch_operands = 0 : i64, tpu.core_type = #tpu.core_type<tc>, window_params = [{pipeline_mode = #tpu.pipeline_mode<synchronous>, transform_indices = @transform_0, window_bounds = array<i64: 4096, 768>}, {pipeline_mode = #tpu.pipeline_mode<synchronous>, transform_indices = @transform_1, window_bounds = array<i64: 4096, 8>}, {pipeline_mode = #tpu.pipeline_mode<synchronous>, transform_indices = @transform_2, window_bounds = array<i64: 768, 16>}, {pipeline_mode = #tpu.pipeline_mode<synchronous>, transform_indices = @transform_3, window_bounds = array<i64: 1, 16>}, {pipeline_mode = #tpu.pipeline_mode<synchronous>, transform_indices = @transform_4, window_bounds = array<i64: 2, 4096>}, {pipeline_mode = #tpu.pipeline_mode<synchronous>, transform_indices = @transform_5, window_bounds = array<i64: 4096, 2>}, {pipeline_mode = #tpu.pipeline_mode<synchronous>, transform_indices = @transform_6, window_bounds = array<i64: 2, 24>}, {pipeline_mode = #tpu.pipeline_mode<synchronous>, transform_indices = @transform_7, window_bounds = array<i64: 4096, 384>}]} {
    %get3A = arith.constant 0 : index
    %get3A_0 = arith.constant 0 : index
    %get3A_1 = vector.load %arg1[%get3A, %get3A_0] : memref<4096x768xf32, #tpu.memory_space<vmem>>, vector<4096x768xf32>
    %convert_element_type3A = arith.truncf %get3A_1 : vector<4096x768xf32> to vector<4096x768xbf16>
    %bitcast_convert_type3A = tpu.bitcast %convert_element_type3A : vector<4096x768xbf16> -> vector<4096x768xi16>
    %slice3A = vector.extract_strided_slice %bitcast_convert_type3A {offsets = [0, 0], sizes = [4096, 384], strides = [1, 1]} : vector<4096x768xi16> to vector<4096x384xi16>
    %convert_element_type3A_2 = arith.extui %slice3A : vector<4096x384xi16> to vector<4096x384xi32>
    %slice3A_3 = vector.extract_strided_slice %bitcast_convert_type3A {offsets = [0, 384], sizes = [4096, 384], strides = [1, 1]} : vector<4096x768xi16> to vector<4096x384xi16>
    %convert_element_type3A_4 = arith.extui %slice3A_3 : vector<4096x384xi16> to vector<4096x384xi32>
    %shift_left3A = arith.constant 16 : i32
    %shift_left3A_5 = vector.broadcast %shift_left3A : i32 to vector<4096x384xi32>
    %shift_left3A_6 = arith.shli %convert_element_type3A_4, %shift_left3A_5 : vector<4096x384xi32>
    %or3A = arith.ori %convert_element_type3A_2, %shift_left3A_6 : vector<4096x384xi32>
    %swap3A = arith.constant 0 : index
    %swap3A_7 = arith.constant 0 : index
    %swap3A_8 = vector.load %arg8[%swap3A, %swap3A_7] : memref<4096x384xi32, #tpu.memory_space<vmem>>, vector<4096x384xi32>
    tpu.vector_store %arg8[%swap3A, %swap3A_7], %or3A {strides = array<i32>} : memref<4096x384xi32, #tpu.memory_space<vmem>>, vector<4096x384xi32>,
    %get3A_9 = arith.constant 0 : index
    %get3A_10 = arith.constant 0 : index
    %get3A_11 = vector.load %arg3[%get3A_9, %get3A_10] : memref<768x16xbf16, #tpu.memory_space<vmem>>, vector<768x16xbf16>
    %dot_general3A = arith.constant dense<0.000000e+00> : vector<4096x16xf32>
    %dot_general3A_12 = tpu.matmul %convert_element_type3A, %get3A_11, %dot_general3A {dimension_numbers = #tpu.dot_dimension_numbers<[1], [0], [0], [1], [0, 0, 1, 1], [], []>, transpose_lhs_hint = false} : vector<4096x768xbf16>, vector<768x16xbf16>, vector<4096x16xf32> -> vector<4096x16xf32>
    %get3A_13 = arith.constant 0 : index
    %get3A_14 = arith.constant 0 : index
    %get3A_15 = vector.load %arg4[%get3A_13, %get3A_14] : memref<1x16xf32, #tpu.memory_space<vmem>>, vector<1x16xf32>
    %add3A = vector.broadcast %get3A_15 : vector<1x16xf32> to vector<4096x16xf32>
    %add3A_16 = arith.addf %dot_general3A_12, %add3A : vector<4096x16xf32>
    %slice3A_17 = vector.extract_strided_slice %add3A_16 {offsets = [0, 0], sizes = [4096, 8], strides = [1, 1]} : vector<4096x16xf32> to vector<4096x8xf32>
    %slice3A_18 = vector.extract_strided_slice %add3A_16 {offsets = [0, 8], sizes = [4096, 8], strides = [1, 1]} : vector<4096x16xf32> to vector<4096x8xf32>
    %get3A_19 = arith.constant 0 : index
    %get3A_20 = arith.constant 0 : index
    %get3A_21 = vector.load %arg2[%get3A_19, %get3A_20] : memref<4096x8xf32, #tpu.memory_space<vmem>>, vector<4096x8xf32>
    %custom_jvp_call3A = arith.constant 0.000000e+00 : f32
    %max3A = vector.broadcast %custom_jvp_call3A : f32 to vector<4096x8xf32>
    %max3A_22 = arith.maximumf %slice3A_18, %max3A : vector<4096x8xf32>
    %sub3A = vector.broadcast %custom_jvp_call3A : f32 to vector<4096x8xf32>
    %sub3A_23 = arith.subf %slice3A_18, %sub3A : vector<4096x8xf32>
    %ne3A = arith.cmpf one, %sub3A_23, %sub3A_23 : vector<4096x8xf32>
    %add3A_24 = vector.broadcast %custom_jvp_call3A : f32 to vector<4096x8xf32>
    %add3A_25 = arith.addf %slice3A_18, %add3A_24 : vector<4096x8xf32>
    %abs3A = math.absf %sub3A_23 : vector<4096x8xf32>
    %neg3A = arith.constant 0.000000e+00 : f32
    %neg3A_26 = vector.broadcast %neg3A : f32 to vector<4096x8xf32>
    %neg3A_27 = arith.subf %neg3A_26, %abs3A : vector<4096x8xf32>
    %exp3A = math.exp %neg3A_27 : vector<4096x8xf32>
    %log1p3A = math.log1p %exp3A : vector<4096x8xf32>
    %add3A_28 = arith.addf %max3A_22, %log1p3A : vector<4096x8xf32>
    %select_n3A = arith.select %ne3A, %add3A_25, %add3A_28 : vector<4096x8xi1>, vector<4096x8xf32>
    %mul3A = arith.mulf %get3A_21, %select_n3A : vector<4096x8xf32>
    %add3A_29 = arith.addf %slice3A_17, %mul3A : vector<4096x8xf32>
    %reduce_max3A = arith.constant dense<0xFF800000> : vector<4096xf32>
    %reduce_max3A_30 = vector.multi_reduction <maximumf>, %add3A_29, %reduce_max3A [1] : vector<4096x8xf32> to vector<4096xf32>
    %broadcast_in_dim3A = vector.shape_cast %reduce_max3A_30 : vector<4096xf32> to vector<4096x1xf32>
    %eq3A = vector.broadcast %broadcast_in_dim3A : vector<4096x1xf32> to vector<4096x8xf32>
    %eq3A_31 = arith.cmpf oeq, %add3A_29, %eq3A : vector<4096x8xf32>
    %jit3A = arith.constant 0xFF800000 : f32
    %broadcast_in_dim3A_32 = vector.broadcast %jit3A : f32 to vector<4096x8xf32>
    %select_n3A_33 = arith.select %eq3A_31, %broadcast_in_dim3A_32, %add3A_29 : vector<4096x8xi1>, vector<4096x8xf32>
    %reduce_max3A_34 = arith.constant dense<0xFF800000> : vector<4096xf32>
    %reduce_max3A_35 = vector.multi_reduction <maximumf>, %select_n3A_33, %reduce_max3A_34 [1] : vector<4096x8xf32> to vector<4096xf32>
    %broadcast_in_dim3A_36 = vector.shape_cast %reduce_max3A_35 : vector<4096xf32> to vector<4096x1xf32>
    %eq3A_37 = vector.broadcast %broadcast_in_dim3A_36 : vector<4096x1xf32> to vector<4096x8xf32>
    %eq3A_38 = arith.cmpf oeq, %select_n3A_33, %eq3A_37 : vector<4096x8xf32>
    %sub3A_39 = arith.subf %broadcast_in_dim3A_36, %broadcast_in_dim3A : vector<4096x1xf32>
    %exp3A_40 = math.exp %sub3A_39 : vector<4096x1xf32>
    %add3A_41 = arith.constant 1.000000e+00 : f32
    %add3A_42 = vector.broadcast %add3A_41 : f32 to vector<4096x1xf32>
    %add3A_43 = arith.addf %add3A_42, %exp3A_40 : vector<4096x1xf32>
    %div3A = arith.constant 1.000000e+00 : f32
    %div3A_44 = vector.broadcast %div3A : f32 to vector<4096x1xf32>
    %div3A_45 = arith.divf %div3A_44, %add3A_43 : vector<4096x1xf32>
    %swap3A_46 = arith.constant 0 : index
    %swap3A_47 = arith.constant 0 : index
    %swap3A_48 = vector.load %arg6[%swap3A_46, %swap3A_47] : memref<4096x2xf32, #tpu.memory_space<vmem>>, vector<4096x1xf32>
    tpu.vector_store %arg6[%swap3A_46, %swap3A_47], %div3A_45 {strides = array<i32>} : memref<4096x2xf32, #tpu.memory_space<vmem>>, vector<4096x1xf32>,
    %div3A_49 = arith.divf %exp3A_40, %add3A_43 : vector<4096x1xf32>
    %swap3A_50 = arith.constant 0 : index
    %swap3A_51 = arith.constant 1 : index
    %swap3A_52 = vector.load %arg6[%swap3A_50, %swap3A_51] : memref<4096x2xf32, #tpu.memory_space<vmem>>, vector<4096x1xf32>
    tpu.vector_store %arg6[%swap3A_50, %swap3A_51], %div3A_49 {strides = array<i32>} : memref<4096x2xf32, #tpu.memory_space<vmem>>, vector<4096x1xf32>,
    %convert_element_type3A_53 = arith.extui %eq3A_31 : vector<4096x8xi1> to vector<4096x8xi32>
    %convert_element_type3A_54 = arith.sitofp %convert_element_type3A_53 : vector<4096x8xi32> to vector<4096x8xf32>
    %convert_element_type3A_55 = arith.extui %eq3A_38 : vector<4096x8xi1> to vector<4096x8xi32>
    %convert_element_type3A_56 = arith.sitofp %convert_element_type3A_55 : vector<4096x8xi32> to vector<4096x8xf32>
    %iota3A = tpu.iota {dimensions = array<i32: 0>} : vector<1024x1024xi32>
    %iota3A_57 = tpu.iota {dimensions = array<i32: 1>} : vector<1024x1024xi32>
    %ge3A = arith.cmpi sge, %iota3A, %iota3A_57 : vector<1024x1024xi32>
    %convert_element_type3A_58 = arith.extui %ge3A : vector<1024x1024xi1> to vector<1024x1024xi32>
    %convert_element_type3A_59 = arith.sitofp %convert_element_type3A_58 : vector<1024x1024xi32> to vector<1024x1024xf32>
    %convert_element_type3A_60 = arith.truncf %convert_element_type3A_59 : vector<1024x1024xf32> to vector<1024x1024xbf16>
    %slice3A_61 = vector.extract_strided_slice %convert_element_type3A_54 {offsets = [0, 0], sizes = [1024, 8], strides = [1, 1]} : vector<4096x8xf32> to vector<1024x8xf32>
    %slice3A_62 = vector.extract_strided_slice %convert_element_type3A_54 {offsets = [1024, 0], sizes = [1024, 8], strides = [1, 1]} : vector<4096x8xf32> to vector<1024x8xf32>
    %slice3A_63 = vector.extract_strided_slice %convert_element_type3A_54 {offsets = [2048, 0], sizes = [1024, 8], strides = [1, 1]} : vector<4096x8xf32> to vector<1024x8xf32>
    %slice3A_64 = vector.extract_strided_slice %convert_element_type3A_54 {offsets = [3072, 0], sizes = [1024, 8], strides = [1, 1]} : vector<4096x8xf32> to vector<1024x8xf32>
    %slice3A_65 = vector.extract_strided_slice %convert_element_type3A_56 {offsets = [0, 0], sizes = [1024, 8], strides = [1, 1]} : vector<4096x8xf32> to vector<1024x8xf32>
    %slice3A_66 = vector.extract_strided_slice %convert_element_type3A_56 {offsets = [1024, 0], sizes = [1024, 8], strides = [1, 1]} : vector<4096x8xf32> to vector<1024x8xf32>
    %slice3A_67 = vector.extract_strided_slice %convert_element_type3A_56 {offsets = [2048, 0], sizes = [1024, 8], strides = [1, 1]} : vector<4096x8xf32> to vector<1024x8xf32>
    %slice3A_68 = vector.extract_strided_slice %convert_element_type3A_56 {offsets = [3072, 0], sizes = [1024, 8], strides = [1, 1]} : vector<4096x8xf32> to vector<1024x8xf32>
    %convert_element_type3A_69 = arith.truncf %slice3A_61 : vector<1024x8xf32> to vector<1024x8xbf16>
    %convert_element_type3A_70 = arith.truncf %slice3A_62 : vector<1024x8xf32> to vector<1024x8xbf16>
    %convert_element_type3A_71 = arith.truncf %slice3A_63 : vector<1024x8xf32> to vector<1024x8xbf16>
    %convert_element_type3A_72 = arith.truncf %slice3A_64 : vector<1024x8xf32> to vector<1024x8xbf16>
    %convert_element_type3A_73 = arith.truncf %slice3A_65 : vector<1024x8xf32> to vector<1024x8xbf16>
    %convert_element_type3A_74 = arith.truncf %slice3A_66 : vector<1024x8xf32> to vector<1024x8xbf16>
    %convert_element_type3A_75 = arith.truncf %slice3A_67 : vector<1024x8xf32> to vector<1024x8xbf16>
    %convert_element_type3A_76 = arith.truncf %slice3A_68 : vector<1024x8xf32> to vector<1024x8xbf16>
    %concatenate3A = tpu.concatenate %convert_element_type3A_69, %convert_element_type3A_70, %convert_element_type3A_71, %convert_element_type3A_72, %convert_element_type3A_73, %convert_element_type3A_74, %convert_element_type3A_75, %convert_element_type3A_76 in 1 : vector<1024x8xbf16>, vector<1024x8xbf16>, vector<1024x8xbf16>, vector<1024x8xbf16>, vector<1024x8xbf16>, vector<1024x8xbf16>, vector<1024x8xbf16>, vector<1024x8xbf16> -> vector<1024x64xbf16>
    %dot_general3A_77 = arith.constant dense<0.000000e+00> : vector<1024x64xf32>
    %dot_general3A_78 = tpu.matmul %convert_element_type3A_60, %concatenate3A, %dot_general3A_77 {dimension_numbers = #tpu.dot_dimension_numbers<[1], [0], [0], [1], [0, 0, 1, 1], [], []>, transpose_lhs_hint = false} : vector<1024x1024xbf16>, vector<1024x64xbf16>, vector<1024x64xf32> -> vector<1024x64xf32>
    %slice3A_79 = vector.extract_strided_slice %dot_general3A_78 {offsets = [0, 0], sizes = [1024, 8], strides = [1, 1]} : vector<1024x64xf32> to vector<1024x8xf32>
    %slice3A_80 = vector.extract_strided_slice %slice3A_79 {offsets = [1023, 0], sizes = [1, 8], strides = [1, 1]} : vector<1024x8xf32> to vector<1x8xf32>
    %mul3A_81 = arith.mulf %slice3A_79, %slice3A_61 : vector<1024x8xf32>
    %reduce_sum3A = arith.constant dense<0.000000e+00> : vector<1024xf32>
    %reduce_sum3A_82 = vector.multi_reduction <add>, %mul3A_81, %reduce_sum3A [1] : vector<1024x8xf32> to vector<1024xf32>
    %broadcast_in_dim3A_83 = vector.shape_cast %reduce_sum3A_82 : vector<1024xf32> to vector<1024x1xf32>
    %slice3A_84 = vector.extract_strided_slice %dot_general3A_78 {offsets = [0, 8], sizes = [1024, 8], strides = [1, 1]} : vector<1024x64xf32> to vector<1024x8xf32>
    %slice3A_85 = vector.extract_strided_slice %slice3A_84 {offsets = [1023, 0], sizes = [1, 8], strides = [1, 1]} : vector<1024x8xf32> to vector<1x8xf32>
    %mul3A_86 = arith.mulf %slice3A_84, %slice3A_62 : vector<1024x8xf32>
    %reduce_sum3A_87 = arith.constant dense<0.000000e+00> : vector<1024xf32>
    %reduce_sum3A_88 = vector.multi_reduction <add>, %mul3A_86, %reduce_sum3A_87 [1] : vector<1024x8xf32> to vector<1024xf32>
    %broadcast_in_dim3A_89 = vector.shape_cast %reduce_sum3A_88 : vector<1024xf32> to vector<1024x1xf32>
    %slice3A_90 = vector.extract_strided_slice %dot_general3A_78 {offsets = [0, 16], sizes = [1024, 8], strides = [1, 1]} : vector<1024x64xf32> to vector<1024x8xf32>
    %slice3A_91 = vector.extract_strided_slice %slice3A_90 {offsets = [1023, 0], sizes = [1, 8], strides = [1, 1]} : vector<1024x8xf32> to vector<1x8xf32>
    %mul3A_92 = arith.mulf %slice3A_90, %slice3A_63 : vector<1024x8xf32>
    %reduce_sum3A_93 = arith.constant dense<0.000000e+00> : vector<1024xf32>
    %reduce_sum3A_94 = vector.multi_reduction <add>, %mul3A_92, %reduce_sum3A_93 [1] : vector<1024x8xf32> to vector<1024xf32>
    %broadcast_in_dim3A_95 = vector.shape_cast %reduce_sum3A_94 : vector<1024xf32> to vector<1024x1xf32>
    %slice3A_96 = vector.extract_strided_slice %dot_general3A_78 {offsets = [0, 24], sizes = [1024, 8], strides = [1, 1]} : vector<1024x64xf32> to vector<1024x8xf32>
    %slice3A_97 = vector.extract_strided_slice %slice3A_96 {offsets = [1023, 0], sizes = [1, 8], strides = [1, 1]} : vector<1024x8xf32> to vector<1x8xf32>
    %mul3A_98 = arith.mulf %slice3A_96, %slice3A_64 : vector<1024x8xf32>
    %reduce_sum3A_99 = arith.constant dense<0.000000e+00> : vector<1024xf32>
    %reduce_sum3A_100 = vector.multi_reduction <add>, %mul3A_98, %reduce_sum3A_99 [1] : vector<1024x8xf32> to vector<1024xf32>
    %broadcast_in_dim3A_101 = vector.shape_cast %reduce_sum3A_100 : vector<1024xf32> to vector<1024x1xf32>
    %slice3A_102 = vector.extract_strided_slice %dot_general3A_78 {offsets = [0, 32], sizes = [1024, 8], strides = [1, 1]} : vector<1024x64xf32> to vector<1024x8xf32>
    %slice3A_103 = vector.extract_strided_slice %slice3A_102 {offsets = [1023, 0], sizes = [1, 8], strides = [1, 1]} : vector<1024x8xf32> to vector<1x8xf32>
    %mul3A_104 = arith.mulf %slice3A_102, %slice3A_65 : vector<1024x8xf32>
    %reduce_sum3A_105 = arith.constant dense<0.000000e+00> : vector<1024xf32>
    %reduce_sum3A_106 = vector.multi_reduction <add>, %mul3A_104, %reduce_sum3A_105 [1] : vector<1024x8xf32> to vector<1024xf32>
    %broadcast_in_dim3A_107 = vector.shape_cast %reduce_sum3A_106 : vector<1024xf32> to vector<1024x1xf32>
    %slice3A_108 = vector.extract_strided_slice %dot_general3A_78 {offsets = [0, 40], sizes = [1024, 8], strides = [1, 1]} : vector<1024x64xf32> to vector<1024x8xf32>
    %slice3A_109 = vector.extract_strided_slice %slice3A_108 {offsets = [1023, 0], sizes = [1, 8], strides = [1, 1]} : vector<1024x8xf32> to vector<1x8xf32>
    %mul3A_110 = arith.mulf %slice3A_108, %slice3A_66 : vector<1024x8xf32>
    %reduce_sum3A_111 = arith.constant dense<0.000000e+00> : vector<1024xf32>
    %reduce_sum3A_112 = vector.multi_reduction <add>, %mul3A_110, %reduce_sum3A_111 [1] : vector<1024x8xf32> to vector<1024xf32>
    %broadcast_in_dim3A_113 = vector.shape_cast %reduce_sum3A_112 : vector<1024xf32> to vector<1024x1xf32>
    %slice3A_114 = vector.extract_strided_slice %dot_general3A_78 {offsets = [0, 48], sizes = [1024, 8], strides = [1, 1]} : vector<1024x64xf32> to vector<1024x8xf32>
    %slice3A_115 = vector.extract_strided_slice %slice3A_114 {offsets = [1023, 0], sizes = [1, 8], strides = [1, 1]} : vector<1024x8xf32> to vector<1x8xf32>
    %mul3A_116 = arith.mulf %slice3A_114, %slice3A_67 : vector<1024x8xf32>
    %reduce_sum3A_117 = arith.constant dense<0.000000e+00> : vector<1024xf32>
    %reduce_sum3A_118 = vector.multi_reduction <add>, %mul3A_116, %reduce_sum3A_117 [1] : vector<1024x8xf32> to vector<1024xf32>
    %broadcast_in_dim3A_119 = vector.shape_cast %reduce_sum3A_118 : vector<1024xf32> to vector<1024x1xf32>
    %slice3A_120 = vector.extract_strided_slice %dot_general3A_78 {offsets = [0, 56], sizes = [1024, 8], strides = [1, 1]} : vector<1024x64xf32> to vector<1024x8xf32>
    %slice3A_121 = vector.extract_strided_slice %slice3A_120 {offsets = [1023, 0], sizes = [1, 8], strides = [1, 1]} : vector<1024x8xf32> to vector<1x8xf32>
    %mul3A_122 = arith.mulf %slice3A_120, %slice3A_68 : vector<1024x8xf32>
    %reduce_sum3A_123 = arith.constant dense<0.000000e+00> : vector<1024xf32>
    %reduce_sum3A_124 = vector.multi_reduction <add>, %mul3A_122, %reduce_sum3A_123 [1] : vector<1024x8xf32> to vector<1024xf32>
    %broadcast_in_dim3A_125 = vector.shape_cast %reduce_sum3A_124 : vector<1024xf32> to vector<1024x1xf32>
    %add3A_126 = arith.addf %slice3A_80, %slice3A_85 : vector<1x8xf32>
    %add3A_127 = arith.addf %add3A_126, %slice3A_91 : vector<1x8xf32>
    %add3A_128 = arith.addf %add3A_127, %slice3A_97 : vector<1x8xf32>
    %add3A_129 = arith.addf %add3A_128, %slice3A_103 : vector<1x8xf32>
    %add3A_130 = arith.addf %add3A_129, %slice3A_109 : vector<1x8xf32>
    %add3A_131 = arith.addf %add3A_130, %slice3A_115 : vector<1x8xf32>
    %add3A_132 = arith.addf %add3A_131, %slice3A_121 : vector<1x8xf32>
    %convert_element_type3A_133 = arith.fptosi %add3A_132 : vector<1x8xf32> to vector<1x8xi32>
    %add3A_134 = arith.constant 511 : i32
    %add3A_135 = vector.broadcast %add3A_134 : i32 to vector<1x8xi32>
    %add3A_136 = arith.addi %convert_element_type3A_133, %add3A_135 : vector<1x8xi32>
    %jit3A_137 = arith.constant 512 : i32
    %div3A_138 = vector.broadcast %jit3A_137 : i32 to vector<1x8xi32>
    %div3A_139 = arith.divsi %add3A_136, %div3A_138 : vector<1x8xi32>
    %sign3A = arith.constant 0 : i32
    %sign3A_140 = vector.broadcast %sign3A : i32 to vector<1x8xi32>
    %sign3A_141 = arith.cmpi sgt, %add3A_136, %sign3A_140 : vector<1x8xi32>
    %sign3A_142 = arith.extui %sign3A_141 : vector<1x8xi1> to vector<1x8xi32>
    %sign3A_143 = arith.constant 0 : i32
    %sign3A_144 = vector.broadcast %sign3A_143 : i32 to vector<1x8xi32>
    %sign3A_145 = arith.cmpi slt, %add3A_136, %sign3A_144 : vector<1x8xi32>
    %sign3A_146 = arith.extui %sign3A_145 : vector<1x8xi1> to vector<1x8xi32>
    %sign3A_147 = arith.subi %sign3A_142, %sign3A_146 : vector<1x8xi32>
    %sign3A_148 = arith.constant 0 : i32
    %sign3A_149 = arith.cmpi sgt, %jit3A_137, %sign3A_148 : i32
    %sign3A_150 = arith.extui %sign3A_149 : i1 to i32
    %sign3A_151 = arith.constant 0 : i32
    %sign3A_152 = arith.cmpi slt, %jit3A_137, %sign3A_151 : i32
    %sign3A_153 = arith.extui %sign3A_152 : i1 to i32
    %sign3A_154 = arith.subi %sign3A_150, %sign3A_153 : i32
    %ne3A_155 = vector.broadcast %sign3A_154 : i32 to vector<1x8xi32>
    %ne3A_156 = arith.cmpi ne, %sign3A_147, %ne3A_155 : vector<1x8xi32>
    %rem3A = vector.broadcast %jit3A_137 : i32 to vector<1x8xi32>
    %rem3A_157 = arith.remsi %add3A_136, %rem3A : vector<1x8xi32>
    %ne3A_158 = arith.constant 0 : i32
    %ne3A_159 = vector.broadcast %ne3A_158 : i32 to vector<1x8xi32>
    %ne3A_160 = arith.cmpi ne, %rem3A_157, %ne3A_159 : vector<1x8xi32>
    %and3A = arith.andi %ne3A_156, %ne3A_160 : vector<1x8xi1>
    %sub3A_161 = arith.constant 1 : i32
    %sub3A_162 = vector.broadcast %sub3A_161 : i32 to vector<1x8xi32>
    %sub3A_163 = arith.subi %div3A_139, %sub3A_162 : vector<1x8xi32>
    %select_n3A_164 = arith.select %and3A, %sub3A_163, %div3A_139 : vector<1x8xi1>, vector<1x8xi32>
    %iota3A_165 = tpu.iota {dimensions = array<i32: 0>} : vector<8x8xi32>
    %iota3A_166 = tpu.iota {dimensions = array<i32: 1>} : vector<8x8xi32>
    %lt3A = arith.cmpi slt, %iota3A_165, %iota3A_166 : vector<8x8xi32>
    %convert_element_type3A_167 = arith.extui %lt3A : vector<8x8xi1> to vector<8x8xi32>
    %convert_element_type3A_168 = arith.sitofp %convert_element_type3A_167 : vector<8x8xi32> to vector<8x8xf32>
    %convert_element_type3A_169 = arith.truncf %convert_element_type3A_168 : vector<8x8xf32> to vector<8x8xbf16>
    %convert_element_type3A_170 = arith.sitofp %select_n3A_164 : vector<1x8xi32> to vector<1x8xbf16>
    %dot_general3A_171 = arith.constant dense<0.000000e+00> : vector<1x8xf32>
    %dot_general3A_172 = tpu.matmul %convert_element_type3A_170, %convert_element_type3A_169, %dot_general3A_171 {dimension_numbers = #tpu.dot_dimension_numbers<[1], [0], [0], [1], [0, 0, 1, 1], [], []>, transpose_lhs_hint = false} : vector<1x8xbf16>, vector<8x8xbf16>, vector<1x8xf32> -> vector<1x8xf32>
    %mul3A_173 = arith.constant 5.120000e+02 : f32
    %mul3A_174 = vector.broadcast %mul3A_173 : f32 to vector<1x8xf32>
    %mul3A_175 = arith.mulf %mul3A_174, %dot_general3A_172 : vector<1x8xf32>
    %mul3A_176 = vector.broadcast %mul3A_175 : vector<1x8xf32> to vector<1024x8xf32>
    %mul3A_177 = arith.mulf %slice3A_61, %mul3A_176 : vector<1024x8xf32>
    %reduce_sum3A_178 = arith.constant dense<0.000000e+00> : vector<1024xf32>
    %reduce_sum3A_179 = vector.multi_reduction <add>, %mul3A_177, %reduce_sum3A_178 [1] : vector<1024x8xf32> to vector<1024xf32>
    %broadcast_in_dim3A_180 = vector.shape_cast %reduce_sum3A_179 : vector<1024xf32> to vector<1024x1xf32>
    %add3A_181 = arith.addf %broadcast_in_dim3A_180, %broadcast_in_dim3A_83 : vector<1024x1xf32>
    %sub3A_182 = arith.constant 1.000000e+00 : f32
    %sub3A_183 = vector.broadcast %sub3A_182 : f32 to vector<1024x1xf32>
    %sub3A_184 = arith.subf %add3A_181, %sub3A_183 : vector<1024x1xf32>
    %convert_element_type3A_185 = arith.fptosi %sub3A_184 : vector<1024x1xf32> to vector<1024x1xi32>
    %transpose3A = tpu.transpose %convert_element_type3A_185, [1, 0] : vector<1024x1xi32> -> vector<1x1024xi32>
    %squeeze3A = vector.shape_cast %transpose3A : vector<1x1024xi32> to vector<1024xi32>
    %swap3A_186 = arith.constant 0 : index
    %swap3A_187 = arith.constant 0 : index
    %swap3A_188 = vector.load %arg5[%swap3A_186, %swap3A_187] : memref<2x4096xi32, #tpu.memory_space<vmem>>, vector<1x1024xi32>
    %swap3A_189 = vector.shape_cast %swap3A_188 : vector<1x1024xi32> to vector<1024xi32>
    %swap3A_190 = vector.shape_cast %squeeze3A : vector<1024xi32> to vector<1x1024xi32>
    tpu.vector_store %arg5[%swap3A_186, %swap3A_187], %swap3A_190 {strides = array<i32>} : memref<2x4096xi32, #tpu.memory_space<vmem>>, vector<1x1024xi32>,
    %add3A_191 = arith.addf %mul3A_175, %slice3A_80 : vector<1x8xf32>
    %mul3A_192 = vector.broadcast %add3A_191 : vector<1x8xf32> to vector<1024x8xf32>
    %mul3A_193 = arith.mulf %slice3A_62, %mul3A_192 : vector<1024x8xf32>
    %reduce_sum3A_194 = arith.constant dense<0.000000e+00> : vector<1024xf32>
    %reduce_sum3A_195 = vector.multi_reduction <add>, %mul3A_193, %reduce_sum3A_194 [1] : vector<1024x8xf32> to vector<1024xf32>
    %broadcast_in_dim3A_196 = vector.shape_cast %reduce_sum3A_195 : vector<1024xf32> to vector<1024x1xf32>
    %add3A_197 = arith.addf %broadcast_in_dim3A_196, %broadcast_in_dim3A_89 : vector<1024x1xf32>
    %sub3A_198 = arith.constant 1.000000e+00 : f32
    %sub3A_199 = vector.broadcast %sub3A_198 : f32 to vector<1024x1xf32>
    %sub3A_200 = arith.subf %add3A_197, %sub3A_199 : vector<1024x1xf32>
    %convert_element_type3A_201 = arith.fptosi %sub3A_200 : vector<1024x1xf32> to vector<1024x1xi32>
    %transpose3A_202 = tpu.transpose %convert_element_type3A_201, [1, 0] : vector<1024x1xi32> -> vector<1x1024xi32>
    %squeeze3A_203 = vector.shape_cast %transpose3A_202 : vector<1x1024xi32> to vector<1024xi32>
    %swap3A_204 = arith.constant 0 : index
    %swap3A_205 = arith.constant 1024 : index
    %swap3A_206 = vector.load %arg5[%swap3A_204, %swap3A_205] : memref<2x4096xi32, #tpu.memory_space<vmem>>, vector<1x1024xi32>
    %swap3A_207 = vector.shape_cast %swap3A_206 : vector<1x1024xi32> to vector<1024xi32>
    %swap3A_208 = vector.shape_cast %squeeze3A_203 : vector<1024xi32> to vector<1x1024xi32>
    tpu.vector_store %arg5[%swap3A_204, %swap3A_205], %swap3A_208 {strides = array<i32>} : memref<2x4096xi32, #tpu.memory_space<vmem>>, vector<1x1024xi32>,
    %add3A_209 = arith.addf %add3A_191, %slice3A_85 : vector<1x8xf32>
    %mul3A_210 = vector.broadcast %add3A_209 : vector<1x8xf32> to vector<1024x8xf32>
    %mul3A_211 = arith.mulf %slice3A_63, %mul3A_210 : vector<1024x8xf32>
    %reduce_sum3A_212 = arith.constant dense<0.000000e+00> : vector<1024xf32>
    %reduce_sum3A_213 = vector.multi_reduction <add>, %mul3A_211, %reduce_sum3A_212 [1] : vector<1024x8xf32> to vector<1024xf32>
    %broadcast_in_dim3A_214 = vector.shape_cast %reduce_sum3A_213 : vector<1024xf32> to vector<1024x1xf32>
    %add3A_215 = arith.addf %broadcast_in_dim3A_214, %broadcast_in_dim3A_95 : vector<1024x1xf32>
    %sub3A_216 = arith.constant 1.000000e+00 : f32
    %sub3A_217 = vector.broadcast %sub3A_216 : f32 to vector<1024x1xf32>
    %sub3A_218 = arith.subf %add3A_215, %sub3A_217 : vector<1024x1xf32>
    %convert_element_type3A_219 = arith.fptosi %sub3A_218 : vector<1024x1xf32> to vector<1024x1xi32>
    %transpose3A_220 = tpu.transpose %convert_element_type3A_219, [1, 0] : vector<1024x1xi32> -> vector<1x1024xi32>
    %squeeze3A_221 = vector.shape_cast %transpose3A_220 : vector<1x1024xi32> to vector<1024xi32>
    %swap3A_222 = arith.constant 0 : index
    %swap3A_223 = arith.constant 2048 : index
    %swap3A_224 = vector.load %arg5[%swap3A_222, %swap3A_223] : memref<2x4096xi32, #tpu.memory_space<vmem>>, vector<1x1024xi32>
    %swap3A_225 = vector.shape_cast %swap3A_224 : vector<1x1024xi32> to vector<1024xi32>
    %swap3A_226 = vector.shape_cast %squeeze3A_221 : vector<1024xi32> to vector<1x1024xi32>
    tpu.vector_store %arg5[%swap3A_222, %swap3A_223], %swap3A_226 {strides = array<i32>} : memref<2x4096xi32, #tpu.memory_space<vmem>>, vector<1x1024xi32>,
    %add3A_227 = arith.addf %add3A_209, %slice3A_91 : vector<1x8xf32>
    %mul3A_228 = vector.broadcast %add3A_227 : vector<1x8xf32> to vector<1024x8xf32>
    %mul3A_229 = arith.mulf %slice3A_64, %mul3A_228 : vector<1024x8xf32>
    %reduce_sum3A_230 = arith.constant dense<0.000000e+00> : vector<1024xf32>
    %reduce_sum3A_231 = vector.multi_reduction <add>, %mul3A_229, %reduce_sum3A_230 [1] : vector<1024x8xf32> to vector<1024xf32>
    %broadcast_in_dim3A_232 = vector.shape_cast %reduce_sum3A_231 : vector<1024xf32> to vector<1024x1xf32>
    %add3A_233 = arith.addf %broadcast_in_dim3A_232, %broadcast_in_dim3A_101 : vector<1024x1xf32>
    %sub3A_234 = arith.constant 1.000000e+00 : f32
    %sub3A_235 = vector.broadcast %sub3A_234 : f32 to vector<1024x1xf32>
    %sub3A_236 = arith.subf %add3A_233, %sub3A_235 : vector<1024x1xf32>
    %convert_element_type3A_237 = arith.fptosi %sub3A_236 : vector<1024x1xf32> to vector<1024x1xi32>
    %transpose3A_238 = tpu.transpose %convert_element_type3A_237, [1, 0] : vector<1024x1xi32> -> vector<1x1024xi32>
    %squeeze3A_239 = vector.shape_cast %transpose3A_238 : vector<1x1024xi32> to vector<1024xi32>
    %swap3A_240 = arith.constant 0 : index
    %swap3A_241 = arith.constant 3072 : index
    %swap3A_242 = vector.load %arg5[%swap3A_240, %swap3A_241] : memref<2x4096xi32, #tpu.memory_space<vmem>>, vector<1x1024xi32>
    %swap3A_243 = vector.shape_cast %swap3A_242 : vector<1x1024xi32> to vector<1024xi32>
    %swap3A_244 = vector.shape_cast %squeeze3A_239 : vector<1024xi32> to vector<1x1024xi32>
    tpu.vector_store %arg5[%swap3A_240, %swap3A_241], %swap3A_244 {strides = array<i32>} : memref<2x4096xi32, #tpu.memory_space<vmem>>, vector<1x1024xi32>,
    %add3A_245 = arith.addf %add3A_227, %slice3A_97 : vector<1x8xf32>
    %mul3A_246 = vector.broadcast %add3A_245 : vector<1x8xf32> to vector<1024x8xf32>
    %mul3A_247 = arith.mulf %slice3A_65, %mul3A_246 : vector<1024x8xf32>
    %reduce_sum3A_248 = arith.constant dense<0.000000e+00> : vector<1024xf32>
    %reduce_sum3A_249 = vector.multi_reduction <add>, %mul3A_247, %reduce_sum3A_248 [1] : vector<1024x8xf32> to vector<1024xf32>
    %broadcast_in_dim3A_250 = vector.shape_cast %reduce_sum3A_249 : vector<1024xf32> to vector<1024x1xf32>
    %add3A_251 = arith.addf %broadcast_in_dim3A_250, %broadcast_in_dim3A_107 : vector<1024x1xf32>
    %sub3A_252 = arith.constant 1.000000e+00 : f32
    %sub3A_253 = vector.broadcast %sub3A_252 : f32 to vector<1024x1xf32>
    %sub3A_254 = arith.subf %add3A_251, %sub3A_253 : vector<1024x1xf32>
    %convert_element_type3A_255 = arith.fptosi %sub3A_254 : vector<1024x1xf32> to vector<1024x1xi32>
    %transpose3A_256 = tpu.transpose %convert_element_type3A_255, [1, 0] : vector<1024x1xi32> -> vector<1x1024xi32>
    %squeeze3A_257 = vector.shape_cast %transpose3A_256 : vector<1x1024xi32> to vector<1024xi32>
    %swap3A_258 = arith.constant 1 : index
    %swap3A_259 = arith.constant 0 : index
    %swap3A_260 = vector.load %arg5[%swap3A_258, %swap3A_259] : memref<2x4096xi32, #tpu.memory_space<vmem>>, vector<1x1024xi32>
    %swap3A_261 = vector.shape_cast %swap3A_260 : vector<1x1024xi32> to vector<1024xi32>
    %swap3A_262 = vector.shape_cast %squeeze3A_257 : vector<1024xi32> to vector<1x1024xi32>
    tpu.vector_store %arg5[%swap3A_258, %swap3A_259], %swap3A_262 {strides = array<i32>} : memref<2x4096xi32, #tpu.memory_space<vmem>>, vector<1x1024xi32>,
    %add3A_263 = arith.addf %add3A_245, %slice3A_103 : vector<1x8xf32>
    %mul3A_264 = vector.broadcast %add3A_263 : vector<1x8xf32> to vector<1024x8xf32>
    %mul3A_265 = arith.mulf %slice3A_66, %mul3A_264 : vector<1024x8xf32>
    %reduce_sum3A_266 = arith.constant dense<0.000000e+00> : vector<1024xf32>
    %reduce_sum3A_267 = vector.multi_reduction <add>, %mul3A_265, %reduce_sum3A_266 [1] : vector<1024x8xf32> to vector<1024xf32>
    %broadcast_in_dim3A_268 = vector.shape_cast %reduce_sum3A_267 : vector<1024xf32> to vector<1024x1xf32>
    %add3A_269 = arith.addf %broadcast_in_dim3A_268, %broadcast_in_dim3A_113 : vector<1024x1xf32>
    %sub3A_270 = arith.constant 1.000000e+00 : f32
    %sub3A_271 = vector.broadcast %sub3A_270 : f32 to vector<1024x1xf32>
    %sub3A_272 = arith.subf %add3A_269, %sub3A_271 : vector<1024x1xf32>
    %convert_element_type3A_273 = arith.fptosi %sub3A_272 : vector<1024x1xf32> to vector<1024x1xi32>
    %transpose3A_274 = tpu.transpose %convert_element_type3A_273, [1, 0] : vector<1024x1xi32> -> vector<1x1024xi32>
    %squeeze3A_275 = vector.shape_cast %transpose3A_274 : vector<1x1024xi32> to vector<1024xi32>
    %swap3A_276 = arith.constant 1 : index
    %swap3A_277 = arith.constant 1024 : index
    %swap3A_278 = vector.load %arg5[%swap3A_276, %swap3A_277] : memref<2x4096xi32, #tpu.memory_space<vmem>>, vector<1x1024xi32>
    %swap3A_279 = vector.shape_cast %swap3A_278 : vector<1x1024xi32> to vector<1024xi32>
    %swap3A_280 = vector.shape_cast %squeeze3A_275 : vector<1024xi32> to vector<1x1024xi32>
    tpu.vector_store %arg5[%swap3A_276, %swap3A_277], %swap3A_280 {strides = array<i32>} : memref<2x4096xi32, #tpu.memory_space<vmem>>, vector<1x1024xi32>,
    %add3A_281 = arith.addf %add3A_263, %slice3A_109 : vector<1x8xf32>
    %mul3A_282 = vector.broadcast %add3A_281 : vector<1x8xf32> to vector<1024x8xf32>
    %mul3A_283 = arith.mulf %slice3A_67, %mul3A_282 : vector<1024x8xf32>
    %reduce_sum3A_284 = arith.constant dense<0.000000e+00> : vector<1024xf32>
    %reduce_sum3A_285 = vector.multi_reduction <add>, %mul3A_283, %reduce_sum3A_284 [1] : vector<1024x8xf32> to vector<1024xf32>
    %broadcast_in_dim3A_286 = vector.shape_cast %reduce_sum3A_285 : vector<1024xf32> to vector<1024x1xf32>
    %add3A_287 = arith.addf %broadcast_in_dim3A_286, %broadcast_in_dim3A_119 : vector<1024x1xf32>
    %sub3A_288 = arith.constant 1.000000e+00 : f32
    %sub3A_289 = vector.broadcast %sub3A_288 : f32 to vector<1024x1xf32>
    %sub3A_290 = arith.subf %add3A_287, %sub3A_289 : vector<1024x1xf32>
    %convert_element_type3A_291 = arith.fptosi %sub3A_290 : vector<1024x1xf32> to vector<1024x1xi32>
    %transpose3A_292 = tpu.transpose %convert_element_type3A_291, [1, 0] : vector<1024x1xi32> -> vector<1x1024xi32>
    %squeeze3A_293 = vector.shape_cast %transpose3A_292 : vector<1x1024xi32> to vector<1024xi32>
    %swap3A_294 = arith.constant 1 : index
    %swap3A_295 = arith.constant 2048 : index
    %swap3A_296 = vector.load %arg5[%swap3A_294, %swap3A_295] : memref<2x4096xi32, #tpu.memory_space<vmem>>, vector<1x1024xi32>
    %swap3A_297 = vector.shape_cast %swap3A_296 : vector<1x1024xi32> to vector<1024xi32>
    %swap3A_298 = vector.shape_cast %squeeze3A_293 : vector<1024xi32> to vector<1x1024xi32>
    tpu.vector_store %arg5[%swap3A_294, %swap3A_295], %swap3A_298 {strides = array<i32>} : memref<2x4096xi32, #tpu.memory_space<vmem>>, vector<1x1024xi32>,
    %add3A_299 = arith.addf %add3A_281, %slice3A_115 : vector<1x8xf32>
    %mul3A_300 = vector.broadcast %add3A_299 : vector<1x8xf32> to vector<1024x8xf32>
    %mul3A_301 = arith.mulf %slice3A_68, %mul3A_300 : vector<1024x8xf32>
    %reduce_sum3A_302 = arith.constant dense<0.000000e+00> : vector<1024xf32>
    %reduce_sum3A_303 = vector.multi_reduction <add>, %mul3A_301, %reduce_sum3A_302 [1] : vector<1024x8xf32> to vector<1024xf32>
    %broadcast_in_dim3A_304 = vector.shape_cast %reduce_sum3A_303 : vector<1024xf32> to vector<1024x1xf32>
    %add3A_305 = arith.addf %broadcast_in_dim3A_304, %broadcast_in_dim3A_125 : vector<1024x1xf32>
    %sub3A_306 = arith.constant 1.000000e+00 : f32
    %sub3A_307 = vector.broadcast %sub3A_306 : f32 to vector<1024x1xf32>
    %sub3A_308 = arith.subf %add3A_305, %sub3A_307 : vector<1024x1xf32>
    %convert_element_type3A_309 = arith.fptosi %sub3A_308 : vector<1024x1xf32> to vector<1024x1xi32>
    %transpose3A_310 = tpu.transpose %convert_element_type3A_309, [1, 0] : vector<1024x1xi32> -> vector<1x1024xi32>
    %squeeze3A_311 = vector.shape_cast %transpose3A_310 : vector<1x1024xi32> to vector<1024xi32>
    %swap3A_312 = arith.constant 1 : index
    %swap3A_313 = arith.constant 3072 : index
    %swap3A_314 = vector.load %arg5[%swap3A_312, %swap3A_313] : memref<2x4096xi32, #tpu.memory_space<vmem>>, vector<1x1024xi32>
    %swap3A_315 = vector.shape_cast %swap3A_314 : vector<1x1024xi32> to vector<1024xi32>
    %swap3A_316 = vector.shape_cast %squeeze3A_311 : vector<1024xi32> to vector<1x1024xi32>
    tpu.vector_store %arg5[%swap3A_312, %swap3A_313], %swap3A_316 {strides = array<i32>} : memref<2x4096xi32, #tpu.memory_space<vmem>>, vector<1x1024xi32>,
    %iota3A_317 = tpu.iota {dimensions = array<i32: 1>} : vector<8x24xi32>
    %convert_element_type3A_318 = arith.sitofp %iota3A_317 : vector<8x24xi32> to vector<8x24xf32>
    %transpose3A_319 = tpu.transpose %dot_general3A_172, [1, 0] : vector<1x8xf32> -> vector<8x1xf32>
    %ge3A_320 = vector.broadcast %transpose3A_319 : vector<8x1xf32> to vector<8x24xf32>
    %ge3A_321 = arith.cmpf oge, %convert_element_type3A_318, %ge3A_320 : vector<8x24xf32>
    %convert_element_type3A_322 = arith.extui %ge3A_321 : vector<8x24xi1> to vector<8x24xi32>
    %convert_element_type3A_323 = arith.sitofp %convert_element_type3A_322 : vector<8x24xi32> to vector<8x24xf32>
    %reduce_sum3A_324 = arith.constant dense<0.000000e+00> : vector<24xf32>
    %reduce_sum3A_325 = vector.multi_reduction <add>, %convert_element_type3A_323, %reduce_sum3A_324 [0] : vector<8x24xf32> to vector<24xf32>
    %broadcast_in_dim3A_326 = vector.shape_cast %reduce_sum3A_325 : vector<24xf32> to vector<1x24xf32>
    %sub3A_327 = arith.constant 1.000000e+00 : f32
    %sub3A_328 = vector.broadcast %sub3A_327 : f32 to vector<1x24xf32>
    %sub3A_329 = arith.subf %broadcast_in_dim3A_326, %sub3A_328 : vector<1x24xf32>
    %convert_element_type3A_330 = arith.fptosi %sub3A_329 : vector<1x24xf32> to vector<1x24xi32>
    %swap3A_331 = arith.constant 0 : index
    %swap3A_332 = arith.constant 0 : index
    %swap3A_333 = vector.load %arg7[%swap3A_331, %swap3A_332] : memref<2x24xi32, #tpu.memory_space<vmem>>, vector<1x24xi32>
    tpu.vector_store %arg7[%swap3A_331, %swap3A_332], %convert_element_type3A_330 {strides = array<i32>} : memref<2x24xi32, #tpu.memory_space<vmem>>, vector<1x24xi32>,
    %convert_element_type3A_334 = arith.sitofp %select_n3A_164 : vector<1x8xi32> to vector<1x8xf32>
    %reduce_sum3A_335 = arith.constant dense<0.000000e+00> : vector<1xf32>
    %reduce_sum3A_336 = vector.multi_reduction <add>, %convert_element_type3A_334, %reduce_sum3A_335 [1] : vector<1x8xf32> to vector<1xf32>
    %broadcast_in_dim3A_337 = vector.shape_cast %reduce_sum3A_336 : vector<1xf32> to vector<1x1xf32>
    %slice3A_338 = vector.extract_strided_slice %convert_element_type3A_318 {offsets = [0, 0], sizes = [1, 24], strides = [1, 1]} : vector<8x24xf32> to vector<1x24xf32>
    %lt3A_339 = vector.broadcast %broadcast_in_dim3A_337 : vector<1x1xf32> to vector<1x24xf32>
    %lt3A_340 = arith.cmpf olt, %slice3A_338, %lt3A_339 : vector<1x24xf32>
    %convert_element_type3A_341 = arith.extui %lt3A_340 : vector<1x24xi1> to vector<1x24xi32>
    %swap3A_342 = arith.constant 1 : index
    %swap3A_343 = arith.constant 0 : index
    %swap3A_344 = vector.load %arg7[%swap3A_342, %swap3A_343] : memref<2x24xi32, #tpu.memory_space<vmem>>, vector<1x24xi32>
    tpu.vector_store %arg7[%swap3A_342, %swap3A_343], %convert_element_type3A_341 {strides = array<i32>} : memref<2x24xi32, #tpu.memory_space<vmem>>, vector<1x24xi32>,
    return
  }
  func.func @transform_0(%arg0: i32) -> (i32, i32) {
    %c0_i32 = arith.constant 0 : i32
    %c0_i32_0 = arith.constant 0 : i32
    %c0_i32_1 = arith.constant 0 : i32
    return %c0_i32, %c0_i32_0 : i32, i32
  }
  func.func @transform_1(%arg0: i32) -> (i32, i32) {
    %c0_i32 = arith.constant 0 : i32
    %c0_i32_0 = arith.constant 0 : i32
    %c0_i32_1 = arith.constant 0 : i32
    return %c0_i32, %c0_i32_0 : i32, i32
  }
  func.func @transform_2(%arg0: i32) -> (i32, i32) {
    %c0_i32 = arith.constant 0 : i32
    %c0_i32_0 = arith.constant 0 : i32
    %c0_i32_1 = arith.constant 0 : i32
    return %c0_i32, %c0_i32_0 : i32, i32
  }
  func.func @transform_3(%arg0: i32) -> (i32, i32) {
    %c0_i32 = arith.constant 0 : i32
    %c0_i32_0 = arith.constant 0 : i32
    %c0_i32_1 = arith.constant 0 : i32
    return %c0_i32, %c0_i32_0 : i32, i32
  }
  func.func @transform_4(%arg0: i32) -> (i32, i32) {
    %c0_i32 = arith.constant 0 : i32
    %c0_i32_0 = arith.constant 0 : i32
    %c0_i32_1 = arith.constant 0 : i32
    return %c0_i32, %c0_i32_0 : i32, i32
  }
  func.func @transform_5(%arg0: i32) -> (i32, i32) {
    %c0_i32 = arith.constant 0 : i32
    %c0_i32_0 = arith.constant 0 : i32
    %c0_i32_1 = arith.constant 0 : i32
    return %c0_i32, %c0_i32_0 : i32, i32
  }
  func.func @transform_6(%arg0: i32) -> (i32, i32) {
    %c0_i32 = arith.constant 0 : i32
    %c0_i32_0 = arith.constant 0 : i32
    %c0_i32_1 = arith.constant 0 : i32
    return %c0_i32, %c0_i32_0 : i32, i32
  }
  func.func @transform_7(%arg0: i32) -> (i32, i32) {
    %c0_i32 = arith.constant 0 : i32
    %c0_i32_0 = arith.constant 0 : i32
    %c0_i32_1 = arith.constant 0 : i32
    return %c0_i32, %c0_i32_0 : i32, i32
  }
}

module attributes {stable_mosaic.version = 14 : i64} {
  func.func @_grouped_mlp_body(%arg0: i32, %arg1: memref<24xi32, #tpu.memory_space<smem>>, %arg2: memref<24xi32, #tpu.memory_space<smem>>, %arg3: memref<512x384xi32, #tpu.memory_space<vmem>>, %arg4: memref<1x768x768xf32, #tpu.memory_space<vmem>>, %arg5: memref<1x1x768xf32, #tpu.memory_space<vmem>>, %arg6: memref<1x768x768xf32, #tpu.memory_space<vmem>>, %arg7: memref<1x1x768xf32, #tpu.memory_space<vmem>>, %arg8: memref<512x384xi32, #tpu.memory_space<vmem>>) attributes {dimension_semantics = [#tpu.dimension_semantics<arbitrary>], iteration_bounds = array<i64: 24>, scalar_prefetch = 2 : i64, scratch_operands = 0 : i64, tpu.core_type = #tpu.core_type<tc>, window_params = [{transform_indices = @transform_0, window_bounds = array<i64: 512, 384>}, {transform_indices = @transform_1, window_bounds = array<i64: 1, 768, 768>}, {transform_indices = @transform_2, window_bounds = array<i64: 1, 1, 768>}, {transform_indices = @transform_3, window_bounds = array<i64: 1, 768, 768>}, {transform_indices = @transform_4, window_bounds = array<i64: 1, 1, 768>}, {transform_indices = @transform_5, window_bounds = array<i64: 512, 384>}]} {
    %get3A = arith.index_cast %arg0 : i32 to index
    %get3A_0 = memref.load %arg2[%get3A] : memref<24xi32, #tpu.memory_space<smem>>
    %eq3A = arith.constant 1 : i32
    %eq3A_1 = arith.cmpi eq, %get3A_0, %eq3A : i32
    %convert_element_type3A = arith.extui %eq3A_1 : i1 to i32
    %cond3A = arith.constant 0 : i32
    %cond3A_2 = arith.cmpi ne, %convert_element_type3A, %cond3A : i32
    scf.if %cond3A_2 {
      %get3A_3 = arith.constant 0 : index
      %get3A_4 = arith.constant 0 : index
      %get3A_5 = vector.load %arg3[%get3A_3, %get3A_4] : memref<512x384xi32, #tpu.memory_space<vmem>>, vector<512x384xi32>
      %and3A = arith.constant 65535 : i32
      %and3A_6 = vector.broadcast %and3A : i32 to vector<512x384xi32>
      %and3A_7 = arith.andi %get3A_5, %and3A_6 : vector<512x384xi32>
      %convert_element_type3A_8 = arith.trunci %and3A_7 : vector<512x384xi32> to vector<512x384xi16>
      %bitcast_convert_type3A = tpu.bitcast %convert_element_type3A_8 : vector<512x384xi16> -> vector<512x384xbf16>
      %shift_right_logical3A = arith.constant 16 : i32
      %shift_right_logical3A_9 = vector.broadcast %shift_right_logical3A : i32 to vector<512x384xi32>
      %shift_right_logical3A_10 = arith.shrui %get3A_5, %shift_right_logical3A_9 : vector<512x384xi32>
      %convert_element_type3A_11 = arith.trunci %shift_right_logical3A_10 : vector<512x384xi32> to vector<512x384xi16>
      %bitcast_convert_type3A_12 = tpu.bitcast %convert_element_type3A_11 : vector<512x384xi16> -> vector<512x384xbf16>
      %concatenate3A = tpu.concatenate %bitcast_convert_type3A, %bitcast_convert_type3A_12 in 1 : vector<512x384xbf16>, vector<512x384xbf16> -> vector<512x768xbf16>
      %get3A_13 = arith.constant 0 : index
      %get3A_14 = arith.constant 0 : index
      %get3A_15 = arith.constant 0 : index
      %get3A_16 = vector.load %arg4[%get3A_13, %get3A_14, %get3A_15] : memref<1x768x768xf32, #tpu.memory_space<vmem>>, vector<1x768x768xf32>
      %get3A_17 = vector.shape_cast %get3A_16 : vector<1x768x768xf32> to vector<768x768xf32>
      %convert_element_type3A_18 = arith.truncf %get3A_17 : vector<768x768xf32> to vector<768x768xbf16>
      %dot_general3A = arith.constant dense<0.000000e+00> : vector<512x768xf32>
      %dot_general3A_19 = tpu.matmul %concatenate3A, %convert_element_type3A_18, %dot_general3A {dimension_numbers = #tpu.dot_dimension_numbers<[1], [0], [0], [1], [0, 0, 1, 1], [], []>, transpose_lhs_hint = false} : vector<512x768xbf16>, vector<768x768xbf16>, vector<512x768xf32> -> vector<512x768xf32>
      %get3A_20 = arith.constant 0 : index
      %get3A_21 = arith.constant 0 : index
      %get3A_22 = arith.constant 0 : index
      %get3A_23 = vector.load %arg5[%get3A_20, %get3A_21, %get3A_22] : memref<1x1x768xf32, #tpu.memory_space<vmem>>, vector<1x1x768xf32>
      %get3A_24 = vector.shape_cast %get3A_23 : vector<1x1x768xf32> to vector<1x768xf32>
      %add3A = vector.broadcast %get3A_24 : vector<1x768xf32> to vector<512x768xf32>
      %add3A_25 = arith.addf %dot_general3A_19, %add3A : vector<512x768xf32>
      %max3A = arith.constant 0.000000e+00 : f32
      %max3A_26 = vector.broadcast %max3A : f32 to vector<512x768xf32>
      %max3A_27 = arith.maximumf %add3A_25, %max3A_26 : vector<512x768xf32>
      %convert_element_type3A_28 = arith.truncf %max3A_27 : vector<512x768xf32> to vector<512x768xbf16>
      %get3A_29 = arith.constant 0 : index
      %get3A_30 = arith.constant 0 : index
      %get3A_31 = arith.constant 0 : index
      %get3A_32 = vector.load %arg6[%get3A_29, %get3A_30, %get3A_31] : memref<1x768x768xf32, #tpu.memory_space<vmem>>, vector<1x768x768xf32>
      %get3A_33 = vector.shape_cast %get3A_32 : vector<1x768x768xf32> to vector<768x768xf32>
      %convert_element_type3A_34 = arith.truncf %get3A_33 : vector<768x768xf32> to vector<768x768xbf16>
      %dot_general3A_35 = arith.constant dense<0.000000e+00> : vector<512x768xf32>
      %dot_general3A_36 = tpu.matmul %convert_element_type3A_28, %convert_element_type3A_34, %dot_general3A_35 {dimension_numbers = #tpu.dot_dimension_numbers<[1], [0], [0], [1], [0, 0, 1, 1], [], []>, transpose_lhs_hint = false} : vector<512x768xbf16>, vector<768x768xbf16>, vector<512x768xf32> -> vector<512x768xf32>
      %get3A_37 = arith.constant 0 : index
      %get3A_38 = arith.constant 0 : index
      %get3A_39 = arith.constant 0 : index
      %get3A_40 = vector.load %arg7[%get3A_37, %get3A_38, %get3A_39] : memref<1x1x768xf32, #tpu.memory_space<vmem>>, vector<1x1x768xf32>
      %get3A_41 = vector.shape_cast %get3A_40 : vector<1x1x768xf32> to vector<1x768xf32>
      %add3A_42 = vector.broadcast %get3A_41 : vector<1x768xf32> to vector<512x768xf32>
      %add3A_43 = arith.addf %dot_general3A_36, %add3A_42 : vector<512x768xf32>
      %convert_element_type3A_44 = arith.truncf %add3A_43 : vector<512x768xf32> to vector<512x768xbf16>
      %bitcast_convert_type3A_45 = tpu.bitcast %convert_element_type3A_44 : vector<512x768xbf16> -> vector<512x768xi16>
      %slice3A = vector.extract_strided_slice %bitcast_convert_type3A_45 {offsets = [0, 0], sizes = [512, 384], strides = [1, 1]} : vector<512x768xi16> to vector<512x384xi16>
      %convert_element_type3A_46 = arith.extui %slice3A : vector<512x384xi16> to vector<512x384xi32>
      %slice3A_47 = vector.extract_strided_slice %bitcast_convert_type3A_45 {offsets = [0, 384], sizes = [512, 384], strides = [1, 1]} : vector<512x768xi16> to vector<512x384xi16>
      %convert_element_type3A_48 = arith.extui %slice3A_47 : vector<512x384xi16> to vector<512x384xi32>
      %shift_left3A = arith.constant 16 : i32
      %shift_left3A_49 = vector.broadcast %shift_left3A : i32 to vector<512x384xi32>
      %shift_left3A_50 = arith.shli %convert_element_type3A_48, %shift_left3A_49 : vector<512x384xi32>
      %or3A = arith.ori %convert_element_type3A_46, %shift_left3A_50 : vector<512x384xi32>
      %swap3A = arith.constant 0 : index
      %swap3A_51 = arith.constant 0 : index
      %swap3A_52 = vector.load %arg8[%swap3A, %swap3A_51] : memref<512x384xi32, #tpu.memory_space<vmem>>, vector<512x384xi32>
      tpu.vector_store %arg8[%swap3A, %swap3A_51], %or3A {strides = array<i32>} : memref<512x384xi32, #tpu.memory_space<vmem>>, vector<512x384xi32>,
    } else {
    }
    return
  }
  func.func @transform_0(%arg0: i32, %arg1: memref<24xi32, #tpu.memory_space<smem>>, %arg2: memref<24xi32, #tpu.memory_space<smem>>) -> (i32, i32) {
    %c0_i32 = arith.constant 0 : i32
    %c0_i32_0 = arith.constant 0 : i32
    return %arg0, %c0_i32 : i32, i32
  }
  func.func @transform_1(%arg0: i32, %arg1: memref<24xi32, #tpu.memory_space<smem>>, %arg2: memref<24xi32, #tpu.memory_space<smem>>) -> (i32, i32, i32) {
    %get3A = arith.index_cast %arg0 : i32 to index
    %get3A_0 = memref.load %arg1[%get3A] : memref<24xi32, #tpu.memory_space<smem>>
    %c0_i32 = arith.constant 0 : i32
    %c0_i32_1 = arith.constant 0 : i32
    %c0_i32_2 = arith.constant 0 : i32
    return %get3A_0, %c0_i32, %c0_i32_1 : i32, i32, i32
  }
  func.func @transform_2(%arg0: i32, %arg1: memref<24xi32, #tpu.memory_space<smem>>, %arg2: memref<24xi32, #tpu.memory_space<smem>>) -> (i32, i32, i32) {
    %get3A = arith.index_cast %arg0 : i32 to index
    %get3A_0 = memref.load %arg1[%get3A] : memref<24xi32, #tpu.memory_space<smem>>
    %c0_i32 = arith.constant 0 : i32
    %c0_i32_1 = arith.constant 0 : i32
    %c0_i32_2 = arith.constant 0 : i32
    return %get3A_0, %c0_i32, %c0_i32_1 : i32, i32, i32
  }
  func.func @transform_3(%arg0: i32, %arg1: memref<24xi32, #tpu.memory_space<smem>>, %arg2: memref<24xi32, #tpu.memory_space<smem>>) -> (i32, i32, i32) {
    %get3A = arith.index_cast %arg0 : i32 to index
    %get3A_0 = memref.load %arg1[%get3A] : memref<24xi32, #tpu.memory_space<smem>>
    %c0_i32 = arith.constant 0 : i32
    %c0_i32_1 = arith.constant 0 : i32
    %c0_i32_2 = arith.constant 0 : i32
    return %get3A_0, %c0_i32, %c0_i32_1 : i32, i32, i32
  }
  func.func @transform_4(%arg0: i32, %arg1: memref<24xi32, #tpu.memory_space<smem>>, %arg2: memref<24xi32, #tpu.memory_space<smem>>) -> (i32, i32, i32) {
    %get3A = arith.index_cast %arg0 : i32 to index
    %get3A_0 = memref.load %arg1[%get3A] : memref<24xi32, #tpu.memory_space<smem>>
    %c0_i32 = arith.constant 0 : i32
    %c0_i32_1 = arith.constant 0 : i32
    %c0_i32_2 = arith.constant 0 : i32
    return %get3A_0, %c0_i32, %c0_i32_1 : i32, i32, i32
  }
  func.func @transform_5(%arg0: i32, %arg1: memref<24xi32, #tpu.memory_space<smem>>, %arg2: memref<24xi32, #tpu.memory_space<smem>>) -> (i32, i32) {
    %c0_i32 = arith.constant 0 : i32
    %c0_i32_0 = arith.constant 0 : i32
    return %arg0, %c0_i32 : i32, i32
  }
}

module attributes {stable_mosaic.version = 14 : i64} {
  func.func @_combine_body(%arg0: i32, %arg1: memref<2048x2xf32, #tpu.memory_space<vmem>>, %arg2: memref<2048x384xi32, #tpu.memory_space<vmem>>, %arg3: memref<2048x384xi32, #tpu.memory_space<vmem>>, %arg4: memref<2048x768xf32, #tpu.memory_space<vmem>>) attributes {dimension_semantics = [#tpu.dimension_semantics<arbitrary>], iteration_bounds = array<i64: 2>, scalar_prefetch = 0 : i64, scratch_operands = 0 : i64, tpu.core_type = #tpu.core_type<tc>, window_params = [{transform_indices = @transform_0, window_bounds = array<i64: 2048, 2>}, {transform_indices = @transform_1, window_bounds = array<i64: 2048, 384>}, {transform_indices = @transform_2, window_bounds = array<i64: 2048, 384>}, {transform_indices = @transform_3, window_bounds = array<i64: 2048, 768>}]} {
    %get3A = arith.constant 0 : index
    %get3A_0 = arith.constant 0 : index
    %get3A_1 = vector.load %arg2[%get3A, %get3A_0] : memref<2048x384xi32, #tpu.memory_space<vmem>>, vector<2048x384xi32>
    %and3A = arith.constant 65535 : i32
    %and3A_2 = vector.broadcast %and3A : i32 to vector<2048x384xi32>
    %and3A_3 = arith.andi %get3A_1, %and3A_2 : vector<2048x384xi32>
    %convert_element_type3A = arith.trunci %and3A_3 : vector<2048x384xi32> to vector<2048x384xi16>
    %bitcast_convert_type3A = tpu.bitcast %convert_element_type3A : vector<2048x384xi16> -> vector<2048x384xbf16>
    %shift_right_logical3A = arith.constant 16 : i32
    %shift_right_logical3A_4 = vector.broadcast %shift_right_logical3A : i32 to vector<2048x384xi32>
    %shift_right_logical3A_5 = arith.shrui %get3A_1, %shift_right_logical3A_4 : vector<2048x384xi32>
    %convert_element_type3A_6 = arith.trunci %shift_right_logical3A_5 : vector<2048x384xi32> to vector<2048x384xi16>
    %bitcast_convert_type3A_7 = tpu.bitcast %convert_element_type3A_6 : vector<2048x384xi16> -> vector<2048x384xbf16>
    %concatenate3A = tpu.concatenate %bitcast_convert_type3A, %bitcast_convert_type3A_7 in 1 : vector<2048x384xbf16>, vector<2048x384xbf16> -> vector<2048x768xbf16>
    %convert_element_type3A_8 = arith.extf %concatenate3A : vector<2048x768xbf16> to vector<2048x768xf32>
    %get3A_9 = arith.constant 0 : index
    %get3A_10 = arith.constant 0 : index
    %get3A_11 = vector.load %arg3[%get3A_9, %get3A_10] : memref<2048x384xi32, #tpu.memory_space<vmem>>, vector<2048x384xi32>
    %and3A_12 = arith.constant 65535 : i32
    %and3A_13 = vector.broadcast %and3A_12 : i32 to vector<2048x384xi32>
    %and3A_14 = arith.andi %get3A_11, %and3A_13 : vector<2048x384xi32>
    %convert_element_type3A_15 = arith.trunci %and3A_14 : vector<2048x384xi32> to vector<2048x384xi16>
    %bitcast_convert_type3A_16 = tpu.bitcast %convert_element_type3A_15 : vector<2048x384xi16> -> vector<2048x384xbf16>
    %shift_right_logical3A_17 = arith.constant 16 : i32
    %shift_right_logical3A_18 = vector.broadcast %shift_right_logical3A_17 : i32 to vector<2048x384xi32>
    %shift_right_logical3A_19 = arith.shrui %get3A_11, %shift_right_logical3A_18 : vector<2048x384xi32>
    %convert_element_type3A_20 = arith.trunci %shift_right_logical3A_19 : vector<2048x384xi32> to vector<2048x384xi16>
    %bitcast_convert_type3A_21 = tpu.bitcast %convert_element_type3A_20 : vector<2048x384xi16> -> vector<2048x384xbf16>
    %concatenate3A_22 = tpu.concatenate %bitcast_convert_type3A_16, %bitcast_convert_type3A_21 in 1 : vector<2048x384xbf16>, vector<2048x384xbf16> -> vector<2048x768xbf16>
    %convert_element_type3A_23 = arith.extf %concatenate3A_22 : vector<2048x768xbf16> to vector<2048x768xf32>
    %get3A_24 = arith.constant 0 : index
    %get3A_25 = arith.constant 0 : index
    %get3A_26 = vector.load %arg1[%get3A_24, %get3A_25] : memref<2048x2xf32, #tpu.memory_space<vmem>>, vector<2048x1xf32>
    %mul3A = vector.broadcast %get3A_26 : vector<2048x1xf32> to vector<2048x768xf32>
    %mul3A_27 = arith.mulf %mul3A, %convert_element_type3A_8 : vector<2048x768xf32>
    %get3A_28 = arith.constant 0 : index
    %get3A_29 = arith.constant 1 : index
    %get3A_30 = vector.load %arg1[%get3A_28, %get3A_29] : memref<2048x2xf32, #tpu.memory_space<vmem>>, vector<2048x1xf32>
    %mul3A_31 = vector.broadcast %get3A_30 : vector<2048x1xf32> to vector<2048x768xf32>
    %mul3A_32 = arith.mulf %mul3A_31, %convert_element_type3A_23 : vector<2048x768xf32>
    %add3A = arith.addf %mul3A_27, %mul3A_32 : vector<2048x768xf32>
    %swap3A = arith.constant 0 : index
    %swap3A_33 = arith.constant 0 : index
    %swap3A_34 = vector.load %arg4[%swap3A, %swap3A_33] : memref<2048x768xf32, #tpu.memory_space<vmem>>, vector<2048x768xf32>
    tpu.vector_store %arg4[%swap3A, %swap3A_33], %add3A {strides = array<i32>} : memref<2048x768xf32, #tpu.memory_space<vmem>>, vector<2048x768xf32>,
    return
  }
  func.func @transform_0(%arg0: i32) -> (i32, i32) {
    %c0_i32 = arith.constant 0 : i32
    %c0_i32_0 = arith.constant 0 : i32
    return %arg0, %c0_i32 : i32, i32
  }
  func.func @transform_1(%arg0: i32) -> (i32, i32) {
    %c0_i32 = arith.constant 0 : i32
    %c0_i32_0 = arith.constant 0 : i32
    return %arg0, %c0_i32 : i32, i32
  }
  func.func @transform_2(%arg0: i32) -> (i32, i32) {
    %c0_i32 = arith.constant 0 : i32
    %c0_i32_0 = arith.constant 0 : i32
    return %arg0, %c0_i32 : i32, i32
  }
  func.func @transform_3(%arg0: i32) -> (i32, i32) {
    %c0_i32 = arith.constant 0 : i32
    %c0_i32_0 = arith.constant 0 : i32
    return %arg0, %c0_i32 : i32, i32
  }
}

</mosaic_0001>

<sc_bundles>
// kernel: kernel.10.cloned.1.call-start
scs
__scs_entry_jumppad:
0x0: {  	(pc) =	sbr.rel $0x88, $3  }
0x1: {  	(tag) =	ssettag $0x0;
	lr =	simm.s32 $0x1  }
0x2: {  	[smem:$0x3F98] =	sst lr;
	_ =	strace $0xD0000000  }
0x3: {  	_ = 	snop  }
0x4: {  	_ = 	snop  }
0x5: {  	_ = 	snop  }
0x6: {  	_ = 	snop  }
0x7: {  	_ = 	snop  }
__scs_overlays_trampoline_lowered:
0x8: {  	[smem:$0x3FA7] =	sst s0  }
0x9: {  	[smem:$0x3FA8] =	sst s1  }
0xa: {  	[smem:$0x3FA9] =	sst s2  }
0xb: {  	[smem:$0x3FAA] =	sst s3  }
0xc: {  	[smem:$0x3FAB] =	sst s4  }
0xd: {  	[smem:$0x3FAC] =	sst s5  }
0xe: {  	[smem:$0x3FAD] =	sst s6  }
0xf: {  	[smem:$0x3FAE] =	sst s7  }
0x10: {  	[smem:$0x3FAF] =	sst s8  }
0x11: {  	[smem:$0x3FB0] =	sst s9;
	s0 =	simm.s32 @!p0 $0x0  }
0x12: {  	s1 =	sld [smem:$0x3F96];
	s0 =	simm.s32 @p0 $0x1  }
0x13: {  	[smem:$0x3FB1] =	sst s0;
	s0 =	simm.s32 @!p1 $0x0  }
0x14: {  	s2 =	sld [smem:$0x3F95];
	s0 =	simm.s32 @p1 $0x1  }
0x15: {  	[smem:$0x3FB2] =	sst s0;
	s0 =	simm.s32 @!p2 $0x0  }
0x16: {  	s3 =	sld [smem:$0x3FDB];
	s0 =	simm.s32 @p2 $0x1  }
0x17: {  	s4 =	simm.s32 $0x1BF5;
	[smem:$0x3FB4] =	sst s0  }
0x18: {  	s0 =	sld [smem:$0x3F97];
	_ =	swait.ge [sflag:s4], $0x0  }
0x19: {  	s7 =	sld [smem:$0x3F98]  }
0x1a: {  	s8 =	sadd.s32 $0xFFFFE003, lr  }
0x1b: {  	s9 =	sadd.s32 $0xFFFFFEF7, lr;
	s5 =	simm.s32 $0xFFFFFFFF;
	p2 =	slt.u32 s8, $0xFFFFF086  }
0x1c: {  	p1 =	slt.u32 s9, $0xF7A;
	s5 =	simm.s32 @!p2 $0x0  }
0x1d: {  	s5 =	simm.s32 @p1 $0x1;
	p0 =	seq.s32 s7, s2  }
0x1e: {  	s7 =	smul.u32 @!p0 $0xF7A, s2;
	p2 =	seq.s32 @!p0 s5, $0x0  }
0x1f: {  	s9 =	smul.u32 $0xF7A, s1;
	s8 =	simm.s32 @!p0 $0x1BF5;
	p2 =	por !p2, p0  }
0x20: {  	[sflag:s8] =	ssyncset.s32 @!p0 $0xFFFFF086;
	s6 =	sadd.s32 @!p0 s3, s7;
	s7 =	simm.s32 @!p0 $0x108  }
0x21: {  	s3 =	sadd.s32 s3, s9;
	s6 =	sadd.s32 @!p0 $0x88, s6;
	s7 =	simm.s32 @p2 $0x1082  }
0x22: {  	[simem:s7], [sflag:s8] =	dma.local @!p0 [hbm:s6], $0xF7A  }
0x23: {  	s9 =	sor.u32 $0xD0000000, s2;
	s6 =	simm.s32 $0x108;
	_ =	swait.ge @!p0 [sflag:s8], $0x0  }
0x24: {  	s3 =	sadd.s32 $0x88, s3;
	s6 =	simm.s32 @!p1 $0x1082;
	[sflag:s4] =	ssyncset.s32 $0xFFFFF086  }
0x25: {  	[simem:s6], [sflag:s4] =	dma.local [hbm:s3], $0xF7A  }
0x26: {  	[smem:$0x3F98] =	sst s1;
	(tag) =	ssettag s2;
	_ =	strace s9  }
0x27: {  	s1 =	sld [smem:$0x3FA8]  }
0x28: {  	s2 =	sld [smem:$0x3FA9]  }
0x29: {  	s4 =	sld [smem:$0x3FAB]  }
0x2a: {  	p0 =	seq.s32 s5, $0x0;
	s5 =	sld [smem:$0x3FAC]  }
0x2b: {  	s6 =	sld [smem:$0x3FAD]  }
0x2c: {  	s7 =	sld [smem:$0x3FAE]  }
0x2d: {  	s3 =	simm.s32 $0x108;
	s8 =	sld [smem:$0x3FAF]  }
0x2e: {  	s3 =	simm.s32 @!p0 $0x1082;
	s9 =	sld [smem:$0x3FB0]  }
0x2f: {  	lr =	sadd.s32 s0, s3;
	s0 =	sld [smem:$0x3FA7]  }
0x30: {  	s3 =	sld [smem:$0x3FAA]  }
0x31: {  	[smem:$0x3FB3] =	sst s10  }
0x32: {  	s10 =	sld [smem:$0x3FB1];
	_ =	sdelay $0x3  }
0x33: {  	p0 =	seq.s32 s10, $0x1;
	s10 =	sld [smem:$0x3FB3];
	_ =	sdelay $0x3  }
0x34: {  	[smem:$0x3FB3] =	sst s10  }
0x35: {  	s10 =	sld [smem:$0x3FB2];
	_ =	sdelay $0x3  }
0x36: {  	p1 =	seq.s32 s10, $0x1;
	s10 =	sld [smem:$0x3FB3];
	_ =	sdelay $0x3  }
0x37: {  	[smem:$0x3FB3] =	sst s10  }
0x38: {  	s10 =	sld [smem:$0x3FB4]  }
0x39: {  	_ = 	snop;
	(pc) =	sbr.ind lr, $3  }
0x3a: {  	_ = 	snop  }
0x3b: {  	_ = 	snop  }
0x3c: {  	p2 =	seq.s32 s10, $0x1;
	s10 =	sld [smem:$0x3FB3]  }
0x3d: {  	_ =	shalt  }
0x3e: {  	_ =	shalt  }
0x3f: {  	_ =	shalt  }
0x40: {  	_ =	shalt  }
0x41: {  	_ =	shalt  }
0x42: {  	_ =	shalt  }
0x43: {  	_ =	shalt  }
0x44: {  	_ =	shalt  }
0x45: {  	_ =	shalt  }
0x46: {  	_ =	shalt  }
0x47: {  	_ =	shalt  }
0x48: {  	_ =	shalt  }
0x49: {  	_ =	shalt  }
0x4a: {  	_ =	shalt  }
0x4b: {  	_ =	shalt  }
0x4c: {  	_ =	shalt  }
0x4d: {  	_ =	shalt  }
0x4e: {  	_ =	shalt  }
0x4f: {  	_ =	shalt  }
0x50: {  	_ =	shalt  }
0x51: {  	_ =	shalt  }
0x52: {  	_ =	shalt  }
0x53: {  	_ =	shalt  }
0x54: {  	_ =	shalt  }
0x55: {  	_ =	shalt  }
0x56: {  	_ =	shalt  }
0x57: {  	_ =	shalt  }
0x58: {  	_ =	shalt  }
0x59: {  	_ =	shalt  }
0x5a: {  	_ =	shalt  }
0x5b: {  	_ =	shalt  }
0x5c: {  	_ =	shalt  }
0x5d: {  	_ =	shalt  }
0x5e: {  	_ =	shalt  }
0x5f: {  	_ =	shalt  }
0x60: {  	_ =	shalt  }
0x61: {  	_ =	shalt  }
0x62: {  	_ =	shalt  }
0x63: {  	_ =	shalt  }
0x64: {  	_ =	shalt  }
0x65: {  	_ =	shalt  }
0x66: {  	_ =	shalt  }
0x67: {  	_ =	shalt  }
0x68: {  	_ =	shalt  }
0x69: {  	_ =	shalt  }
0x6a: {  	_ =	shalt  }
0x6b: {  	_ =	shalt  }
0x6c: {  	_ =	shalt  }
0x6d: {  	_ =	shalt  }
0x6e: {  	_ =	shalt  }
0x6f: {  	_ =	shalt  }
0x70: {  	_ =	shalt  }
0x71: {  	_ =	shalt  }
0x72: {  	_ =	shalt  }
0x73: {  	_ =	shalt  }
0x74: {  	_ =	shalt  }
0x75: {  	_ =	shalt  }
0x76: {  	_ =	shalt  }
0x77: {  	_ =	shalt  }
0x78: {  	_ =	shalt  }
0x79: {  	_ =	shalt  }
0x7a: {  	_ =	shalt  }
0x7b: {  	_ =	shalt  }
0x7c: {  	_ =	shalt  }
0x7d: {  	_ =	shalt  }
0x7e: {  	_ =	shalt  }
0x7f: {  	_ =	shalt  }
0x80: {  	_ =	shalt  }
0x81: {  	_ =	shalt  }
0x82: {  	_ =	shalt  }
0x83: {  	_ =	shalt  }
0x84: {  	_ =	shalt  }
0x85: {  	_ =	shalt  }
0x86: {  	_ =	shalt  }
0x87: {  	_ =	shalt  }
.Lfunc_end0:
.L_simem_size_0:
called_computation.1_lowered:
.L_overlay_start_0:
0x88: {  	s2 =	sld [smem:$0x3FD9]  }
0x89: {  	s3 =	sld [smem:$0x3FFE];
	_ =	sdelay $0x1  }
0x8a: {  	s1 =	srdreg.scid  }
0x8b: {  	s0 =	sand.u32 $0x1, s1  }
0x8c: {  	s17 =	sshll.u32 s0, $0xA;
	s2 =	sadd.s32 s3, s2  }
0x8d: {  	s2 =	sadd.s32 s2, s17  }
0x8e: {  	[smem:$0x3FBF] =	sst s2  }
0x8f: {  	_ = 	snop  }
0x90: {  	s2 =	sld [smem:$0x3FD0];
	(tm) =	ssettm $0x1  }
0x91: {  	s18 =	sld [smem:$0x3FFB];
	_ =	sdelay $0x3  }
0x92: {  	_ =	strace s18  }
0x93: {  	s3 =	sld [smem:$0x3FFC];
	_ =	sdelay $0x3  }
0x94: {  	_ =	strace s3  }
0x95: {  	s3 =	sld [smem:$0x3FFD];
	_ =	sdelay $0x3  }
0x96: {  	_ =	strace s3  }
0x97: {  	_ =	strace $0x8FFFFFFF  }
0x98: {  	s19 =	sld [smem:$0x3FDB];
	_ =	sdelay $0x1  }
0x99: {  	s4 =	simm.s32 $_scs_section_size  }
0x9a: {  	s5 =	simm.s32 $_size__tile_overlayer_lowered;
	s6 =	simm.s32 $_tile_overlayer_lowered  }
0x9b: {  	s22 =	simm.s32 $0x1BFF;
	s21 =	sshll.u32 s6, $0x1;
	s3 =	sadd.s32 s4, s19  }
0x9c: {  	s7 =	simm.s32 $0x0;
	s20 =	sshll.u32 s5, $0x1;
	s5 =	sadd.s32 s21, s3  }
0x9d: {  	[timem:s7], [sflag:s22] =	dma.local [hbm:s5], s20  }
0x9e: {  	_ =	swait.ge [sflag:s22], s20  }
0x9f: {  	s4 =	ssub.s32 $0x0, s20;
	[sflag:s22] =	ssyncset.done $0x0  }
0xa0: {  	[sflag:s22] =	ssyncadd.s32 s4;
	_ =	sdelay $0x1  }
0xa1: {  	s23 =	simm.s32 $0x1B8B  }
0xa2: {  	_ =	swait.ge [sflag:s23], $0x1  }
0xa3: {  	[sflag:s23] =	ssyncset.done $0x0  }
0xa4: {  	s25 =	simm.s32 $0x1B8E;
	s24 =	sld [smem:$0x3FFE];
	[sflag:s23] =	ssyncadd.s32 $0xFFFFFFFF  }
0xa5: {  	s26 =	simm.s32 $execute0_lowered;
	[smem:$0x3FD2] =	sst s25  }
0xa6: {  	s5 =	sshll.u32 s26, $0x1;
	_ =	strace $0x80000049;
	[dreg:$0x1] =	wrdreg $0xFFFFFFFF  }
0xa7: {  	s28 =	simm.s32 $_size_execute0_lowered;
	s3 =	sadd.s32 s3, s5;
	[dreg:$0x0] =	wrdreg $0x0  }
0xa8: {  	s5 =	sshll.u32 s28, $0x1;
	[dreg:$0x2] =	wrdreg s3  }
0xa9: {  	[dreg:$0x3] =	wrdreg s5  }
0xaa: {  	[dreg:$0x4] =	wrdreg $0xC0  }
0xab: {  	_ =	task [dreg:s7], $0x5FFFF  }
0xac: {  	[dreg:$0x1] =	wrdreg $0xFFFFFFFF  }
0xad: {  	[dreg:$0x0] =	wrdreg $0x60  }
0xae: {  	[dreg:$0x2] =	wrdreg s24  }
0xaf: {  	[dreg:$0x3] =	wrdreg s2  }
0xb0: {  	[dreg:$0x4] =	wrdreg $0x9  }
0xb1: {  	_ =	task.clear_ibuf [dreg:s7], $0x5FFFF;
	_ =	strace $0x90000049  }
0xb2: {  	s29 =	simm.s32 $0x9;
	_ =	strace $0x8000004B  }
0xb3: {  	_ =	swait.ge [sflag:s29], $0x1  }
0xb4: {  	[sflag:s29] =	ssyncadd.s32 $0xFFFFFFFF  }
0xb5: {  	_ =	strace $0x9000004B  }
0xb6: {  	_ =	sfence  }
0xb7: {  	s30 =	sld [smem:$0x0];
	_ =	sdelay $0x2  }
0xb8: {  	s31 =	sshll.u32 s1, $0xD;
	s1 =	sshrl.u32 s1, $0x2  }
0xb9: {  	s3 =	sand.u32 $0x4000, s31;
	s1 =	sadd.s32 s1, s30  }
0xba: {  	s0 =	sor.u32 s3, s0;
	s1 =	sshll.u32 s1, $0x11  }
0xbb: {  	s0 =	sor.u32 s1, s0  }
0xbc: {  	s0 =	sadd.s32 $0x8F2B, s0  }
0xbd: {  	[sflag:s0] =	ssyncadd.remote.s32 $0x1  }
0xbe: {  	_ =	sfence.sel $0xFFFF  }
0xbf: {  	[dreg:$0x0] =	wrdreg $0xFFFFFFFF;
	(pc) =	sbr.abs _section_cstart, $3  }
0xc0: {  	[dreg:$0x1] =	wrdreg $0xFFFFFFFF  }
0xc1: {  	_ =	task.clear_ibuf [dreg:s7], $0x2FFFF;
	_ =	strace $0x9FFFFFFF  }
0xc2: {  	(tm) =	ssettm $0x7FFFFFFF  }
0xc3: {  	_ =	shalt  }
tec
execute0_lowered:
.L_overlay_start_1:
0x0: {  	(tag) =	ssettag $0x1  }
0x1: {  	s2 =	srdreg.scid;
	s1 =	rddreg [dreg:$0x0]  }
0x2: {  	s3 =	rddreg [dreg:$0x1];
	s4 =	sand.u32 $0x1, s2;
	s2 =	simm.s32 $0x0  }
0x3: {  	s8 =	simm.s32 $0x900;
	[smem:$0x7FF] =	sst s2  }
0x4: {  	s9 =	simm.s32 $0xD00;
	_ =	strace $0x8000004A;
	[dreg:$0x8] =	wrdreg s8  }
0x5: {  	s10 =	simm.s32 $0x1500;
	[dreg:$0x9] =	wrdreg s9  }
0x6: {  	s11 =	simm.s32 $0x1900;
	[dreg:$0xa] =	wrdreg s10  }
0x7: {  	s12 =	simm.s32 $0x2100;
	[dreg:$0xb] =	wrdreg s11  }
0x8: {  	s13 =	simm.s32 $0x2500;
	[dreg:$0xc] =	wrdreg s12  }
0x9: {  	s14 =	simm.s32 $0x2D00;
	[dreg:$0xd] =	wrdreg s13  }
0xa: {  	s15 =	simm.s32 $0x3100;
	[dreg:$0xe] =	wrdreg s14  }
0xb: {  	s16 =	simm.s32 $0x3900;
	[dreg:$0xf] =	wrdreg s15  }
0xc: {  	s17 =	simm.s32 $0x3D00;
	[dreg:$0x10] =	wrdreg s16  }
0xd: {  	s18 =	simm.s32 $0x4500;
	[dreg:$0x11] =	wrdreg s17  }
0xe: {  	s19 =	simm.s32 $0x4900;
	[dreg:$0x12] =	wrdreg s18  }
0xf: {  	s20 =	simm.s32 $0x5100;
	[dreg:$0x13] =	wrdreg s19  }
0x10: {  	s21 =	simm.s32 $0x5500;
	[dreg:$0x14] =	wrdreg s20  }
0x11: {  	s22 =	simm.s32 $0x5D00;
	[dreg:$0x15] =	wrdreg s21  }
0x12: {  	s23 =	simm.s32 $0x6100;
	[dreg:$0x16] =	wrdreg s22  }
0x13: {  	s24 =	simm.s32 $0x6900;
	[dreg:$0x17] =	wrdreg s23  }
0x14: {  	s25 =	simm.s32 $0x6D00;
	[dreg:$0x18] =	wrdreg s24  }
0x15: {  	s26 =	simm.s32 $0x7500;
	[dreg:$0x19] =	wrdreg s25  }
0x16: {  	[dreg:$0x1a] =	wrdreg s26;
	s8 =	simm.s32 $0x9100  }
0x17: {  	s9 =	simm.s32 $0x9900;
	[dreg:$0x1f] =	wrdreg s8  }
0x18: {  	s10 =	simm.s32 $0x9D00;
	[smem:$0x7ED] =	sst s9  }
0x19: {  	s11 =	simm.s32 $0xA500;
	[smem:$0x7EE] =	sst s10  }
0x1a: {  	s12 =	simm.s32 $0xA900;
	[smem:$0x7EF] =	sst s11  }
0x1b: {  	s13 =	simm.s32 $0xB100;
	[smem:$0x7F0] =	sst s12  }
0x1c: {  	s0 =	stileid.u32;
	s14 =	simm.s32 $0xB500;
	[smem:$0x7F1] =	sst s13  }
0x1d: {  	s28 =	simm.s32 $0x17100;
	s15 =	simm.s32 $0xBD00;
	[smem:$0x7F2] =	sst s14  }
0x1e: {  	s29 =	simm.s32 $0x17500;
	s16 =	simm.s32 $0xC900;
	[smem:$0x7F3] =	sst s15  }
0x1f: {  	s30 =	simm.s32 $0x17D00;
	s17 =	simm.s32 $0xCD00;
	[smem:$0x7F4] =	sst s16  }
0x20: {  	s31 =	simm.s32 $0x1;
	s18 =	simm.s32 $0xD500;
	[smem:$0x7F5] =	sst s17  }
0x21: {  	s5 =	sshll.u32 s0, $0x5;
	s20 =	simm.s32 $0xD900;
	[smem:$0x7F6] =	sst s18  }
0x22: {  	s6 =	sshll.u32 s4, $0x4;
	s21 =	simm.s32 $0xE100;
	[smem:$0x7F7] =	sst s20  }
0x23: {  	s4 =	ssub.s32 $0x2, s4;
	s22 =	simm.s32 $0xE500;
	[smem:$0x7F8] =	sst s21  }
0x24: {  	s5 =	sor.u32 s6, s5;
	s23 =	simm.s32 $0xED00;
	[smem:$0x7F9] =	sst s22  }
0x25: {  	s19 =	sshrl.u32 s4, $0x1;
	s24 =	simm.s32 $0xF100;
	[smem:$0x7FA] =	sst s23  }
0x26: {  	s25 =	simm.s32 $0xF900;
	s26 =	simm.s32 $0xFD00;
	[smem:$0x7FB] =	sst s24  }
0x27: {  	s6 =	sadd.s32 s5, s1;
	s5 =	smul.u32 $0x180, s5;
	[smem:$0x7FC] =	sst s25  }
0x28: {  	s8 =	simm.s32 $0xC100;
	[smem:$0x7FD] =	sst s26;
	s10 =	simm.s32 $0x10900  }
0x29: {  	s11 =	simm.s32 $0x11100;
	s12 =	simm.s32 $0x11500;
	s13 =	simm.s32 $0x11D00  }
0x2a: {  	s14 =	simm.s32 $0x12100;
	s15 =	simm.s32 $0x12900;
	s16 =	simm.s32 $0x12D00  }
0x2b: {  	s17 =	simm.s32 $0x13500;
	s18 =	simm.s32 $0x13900;
	s7 =	sadd.s32 $0x1E00, s6  }
0x2c: {  	s20 =	simm.s32 $0x14500;
	s6 =	sadd.s32 $0x2000, s6;
	[dreg:$0x3] =	wrdreg s7  }
0x2d: {  	s21 =	simm.s32 $0x14D00;
	[dreg:$0x4] =	wrdreg s6;
	s3 =	sadd.s32 s3, s5  }
0x2e: {  	s22 =	simm.s32 $0x15100;
	s7 =	simm.s32 $0x80;
	[dreg:$0x5] =	wrdreg s3  }
0x2f: {  	s0 =	sadd.s32 s5, s1;
	s5 =	simm.s32 $0x8100;
	[dreg:$0x7] =	wrdreg s7  }
0x30: {  	s23 =	simm.s32 $0x15900;
	s6 =	sadd.s32 $0x92200, s0;
	[dreg:$0x1c] =	wrdreg s5  }
0x31: {  	s24 =	simm.s32 $0x15D00;
	s0 =	simm.s32 $0x7900;
	[dreg:$0x6] =	wrdreg s6  }
0x32: {  	s25 =	simm.s32 $0x16500;
	s7 =	simm.s32 $0x8D00;
	[dreg:$0x1b] =	wrdreg s0  }
0x33: {  	s26 =	simm.s32 $0x16900;
	s6 =	simm.s32 $0x8500;
	[dreg:$0x1e] =	wrdreg s7  }
0x34: {  	v2 =	vlaneseq.u32;
	s3 =	sadd.s32 $0x2200, s1;
	s7 =	simm.s32 $0x100;
	[dreg:$0x1d] =	wrdreg s6  }
0x35: {  	vm0 =	vmmov $0xffff;
	vm1 =	vmmov $0xff;
	v1 =	vshrl.u32 v2, $0x3;
	s6 =	ssub.s32 s4, s19;
	s4 =	sadd.s32 $0x2300, s1;
	s19 =	simm.s32 $0x14100  }
0x36: {  	v0 =	vand.u32 $0x7, v2;
	v2 =	vor.u32 $0x8, v2;
	v1 =	vmul.u32 $0x8, v1;
	s1 =	simm.s32 $0x2;
	s5 =	smax.u32 s6, $0x1;
	s6 =	simm.s32 $0x3  }
.LBB2_1:
0x37: {  	s0 =	rddreg [dreg:$0x3]  }
0x38: {  	[tilespmem:s2], [sflag:$0x3] =	stream.linear.gather [hbm4b:s0+s2], $0x80, $0x38;
	[tilespmem:$0x18100] =	vst v63  }
0x39: {  	_ =	swait.ge [sflag:s6], $0x80  }
0x3a: {  	s0 =	rddreg [dreg:$0x4];
	[sflag:s6] =	ssyncset.done $0x0  }
0x3b: {  	s9 =	rddreg [dreg:$0x7];
	[sflag:s6] =	ssyncadd.s32 $0xFFFFFF80  }
0x3c: {  	[tilespmem:s9], [sflag:$0x3] =	stream.linear.gather [hbm4b:s0+s2], $0x80, $0x38;
	[tilespmem:$0x18100] =	vst v63  }
0x3d: {  	_ =	swait.ge [sflag:s6], $0x80  }
0x3e: {  	[sflag:s6] =	ssyncset.done $0x0  }
0x3f: {  	[sflag:s6] =	ssyncadd.s32 $0xFFFFFF80  }
0x40: {  	v3 =	vld [tilespmem:$0x0];
	_ =	sdelay $0x4  }
0x41: {  	v4 =	vshrl.u32 v3, $0x3  }
0x42: {  	v4 =	vmul.u32 $0x18, v4  }
0x43: {  	v3 =	vand.u32 $0x7, v3  }
0x44: {  	v3 =	vor.u32 v3, v4  }
0x45: {  	v4 =	vperm.xlane v3, v0;
	_ =	sdelay $0x1  }
0x46: {  	v4 =	vadd.s32 v1, v4;
	_ =	sdelay $0x1  }
0x47: {  	v3 =	vperm.xlane v3, v2;
	_ =	sdelay $0x1  }
0x48: {  	v3 =	vadd.s32 v1, v3  }
0x49: {  	[tilespmem:s7], [sflag:$0x1] =	stream.indirect_vreg.gather [hbm4b:s3+s2], $0x80, v4, vm0, $0xb8;
	[tilespmem:$0x18100] =	vst v63  }
0x4a: {  	s0 =	rddreg [dreg:$0x8]  }
0x4b: {  	[tilespmem:s0], [sflag:$0x1] =	stream.indirect_vreg.gather [hbm4b:s4+s2], $0x80, v4, vm1, $0xb8;
	[tilespmem:$0x18100] =	vst v63  }
0x4c: {  	s9 =	rddreg [dreg:$0x9]  }
0x4d: {  	[tilespmem:s9], [sflag:$0x1] =	stream.indirect_vreg.gather [hbm4b:s3+s2], $0x80, v3, vm0, $0xb8;
	[tilespmem:$0x18100] =	vst v63  }
0x4e: {  	s0 =	rddreg [dreg:$0xa]  }
0x4f: {  	[tilespmem:s0], [sflag:$0x1] =	stream.indirect_vreg.gather [hbm4b:s4+s2], $0x80, v3, vm1, $0xb8;
	[tilespmem:$0x18100] =	vst v63  }
0x50: {  	v3 =	vld [tilespmem:$0x10];
	_ =	sdelay $0x4  }
0x51: {  	v49 =	vshrl.u32 v3, $0x3  }
0x52: {  	v4 =	vmul.u32 $0x18, v49  }
0x53: {  	v3 =	vand.u32 $0x7, v3  }
0x54: {  	v3 =	vor.u32 v3, v4  }
0x55: {  	v4 =	vperm.xlane v3, v0;
	_ =	sdelay $0x1  }
0x56: {  	v4 =	vadd.s32 v1, v4;
	_ =	sdelay $0x1  }
0x57: {  	v3 =	vperm.xlane v3, v2;
	_ =	sdelay $0x1  }
0x58: {  	s0 =	rddreg [dreg:$0xb];
	v3 =	vadd.s32 v1, v3  }
0x59: {  	[tilespmem:s0], [sflag:$0x1] =	stream.indirect_vreg.gather [hbm4b:s3+s2], $0x80, v4, vm0, $0xb8;
	[tilespmem:$0x18100] =	vst v63  }
0x5a: {  	s9 =	rddreg [dreg:$0xc]  }
0x5b: {  	[tilespmem:s9], [sflag:$0x1] =	stream.indirect_vreg.gather [hbm4b:s4+s2], $0x80, v4, vm1, $0xb8;
	[tilespmem:$0x18100] =	vst v63  }
0x5c: {  	s0 =	rddreg [dreg:$0xd]  }
0x5d: {  	[tilespmem:s0], [sflag:$0x1] =	stream.indirect_vreg.gather [hbm4b:s3+s2], $0x80, v3, vm0, $0xb8;
	[tilespmem:$0x18100] =	vst v63  }
0x5e: {  	s9 =	rddreg [dreg:$0xe]  }
0x5f: {  	[tilespmem:s9], [sflag:$0x1] =	stream.indirect_vreg.gather [hbm4b:s4+s2], $0x80, v3, vm1, $0xb8;
	[tilespmem:$0x18100] =	vst v63  }
0x60: {  	v3 =	vld [tilespmem:$0x20];
	_ =	sdelay $0x4  }
0x61: {  	v50 =	vshrl.u32 v3, $0x3  }
0x62: {  	v4 =	vmul.u32 $0x18, v50  }
0x63: {  	v3 =	vand.u32 $0x7, v3  }
0x64: {  	v3 =	vor.u32 v3, v4  }
0x65: {  	v4 =	vperm.xlane v3, v0;
	_ =	sdelay $0x1  }
0x66: {  	v4 =	vadd.s32 v1, v4;
	_ =	sdelay $0x1  }
0x67: {  	v3 =	vperm.xlane v3, v2;
	_ =	sdelay $0x1  }
0x68: {  	s0 =	rddreg [dreg:$0xf];
	v3 =	vadd.s32 v1, v3  }
0x69: {  	[tilespmem:s0], [sflag:$0x1] =	stream.indirect_vreg.gather [hbm4b:s3+s2], $0x80, v4, vm0, $0xb8;
	[tilespmem:$0x18100] =	vst v63  }
0x6a: {  	s9 =	rddreg [dreg:$0x10]  }
0x6b: {  	[tilespmem:s9], [sflag:$0x1] =	stream.indirect_vreg.gather [hbm4b:s4+s2], $0x80, v4, vm1, $0xb8;
	[tilespmem:$0x18100] =	vst v63  }
0x6c: {  	s0 =	rddreg [dreg:$0x11]  }
0x6d: {  	[tilespmem:s0], [sflag:$0x1] =	stream.indirect_vreg.gather [hbm4b:s3+s2], $0x80, v3, vm0, $0xb8;
	[tilespmem:$0x18100] =	vst v63  }
0x6e: {  	s9 =	rddreg [dreg:$0x12]  }
0x6f: {  	[tilespmem:s9], [sflag:$0x1] =	stream.indirect_vreg.gather [hbm4b:s4+s2], $0x80, v3, vm1, $0xb8;
	[tilespmem:$0x18100] =	vst v63  }
0x70: {  	v3 =	vld [tilespmem:$0x30];
	_ =	sdelay $0x4  }
0x71: {  	v51 =	vshrl.u32 v3, $0x3  }
0x72: {  	v4 =	vmul.u32 $0x18, v51  }
0x73: {  	v3 =	vand.u32 $0x7, v3  }
0x74: {  	v3 =	vor.u32 v3, v4  }
0x75: {  	v4 =	vperm.xlane v3, v0;
	_ =	sdelay $0x1  }
0x76: {  	v4 =	vadd.s32 v1, v4;
	_ =	sdelay $0x1  }
0x77: {  	v3 =	vperm.xlane v3, v2;
	_ =	sdelay $0x1  }
0x78: {  	s0 =	rddreg [dreg:$0x13];
	v3 =	vadd.s32 v1, v3  }
0x79: {  	[tilespmem:s0], [sflag:$0x1] =	stream.indirect_vreg.gather [hbm4b:s3+s2], $0x80, v4, vm0, $0xb8;
	[tilespmem:$0x18100] =	vst v63  }
0x7a: {  	s9 =	rddreg [dreg:$0x14]  }
0x7b: {  	[tilespmem:s9], [sflag:$0x1] =	stream.indirect_vreg.gather [hbm4b:s4+s2], $0x80, v4, vm1, $0xb8;
	[tilespmem:$0x18100] =	vst v63  }
0x7c: {  	s0 =	rddreg [dreg:$0x15]  }
0x7d: {  	[tilespmem:s0], [sflag:$0x1] =	stream.indirect_vreg.gather [hbm4b:s3+s2], $0x80, v3, vm0, $0xb8;
	[tilespmem:$0x18100] =	vst v63  }
0x7e: {  	s9 =	rddreg [dreg:$0x16]  }
0x7f: {  	[tilespmem:s9], [sflag:$0x1] =	stream.indirect_vreg.gather [hbm4b:s4+s2], $0x80, v3, vm1, $0xb8;
	[tilespmem:$0x18100] =	vst v63  }
0x80: {  	v3 =	vld [tilespmem:$0x40];
	_ =	sdelay $0x4  }
0x81: {  	v52 =	vshrl.u32 v3, $0x3  }
0x82: {  	v4 =	vmul.u32 $0x18, v52  }
0x83: {  	v3 =	vand.u32 $0x7, v3  }
0x84: {  	v3 =	vor.u32 v3, v4  }
0x85: {  	v4 =	vperm.xlane v3, v0;
	_ =	sdelay $0x1  }
0x86: {  	v4 =	vadd.s32 v1, v4;
	_ =	sdelay $0x1  }
0x87: {  	v3 =	vperm.xlane v3, v2;
	_ =	sdelay $0x1  }
0x88: {  	s0 =	rddreg [dreg:$0x17];
	v3 =	vadd.s32 v1, v3  }
0x89: {  	[tilespmem:s0], [sflag:$0x1] =	stream.indirect_vreg.gather [hbm4b:s3+s2], $0x80, v4, vm0, $0xb8;
	[tilespmem:$0x18100] =	vst v63  }
0x8a: {  	s9 =	rddreg [dreg:$0x18]  }
0x8b: {  	[tilespmem:s9], [sflag:$0x1] =	stream.indirect_vreg.gather [hbm4b:s4+s2], $0x80, v4, vm1, $0xb8;
	[tilespmem:$0x18100] =	vst v63  }
0x8c: {  	s0 =	rddreg [dreg:$0x19]  }
0x8d: {  	[tilespmem:s0], [sflag:$0x1] =	stream.indirect_vreg.gather [hbm4b:s3+s2], $0x80, v3, vm0, $0xb8;
	[tilespmem:$0x18100] =	vst v63  }
0x8e: {  	s9 =	rddreg [dreg:$0x1a]  }
0x8f: {  	[tilespmem:s9], [sflag:$0x1] =	stream.indirect_vreg.gather [hbm4b:s4+s2], $0x80, v3, vm1, $0xb8;
	[tilespmem:$0x18100] =	vst v63  }
0x90: {  	v3 =	vld [tilespmem:$0x50];
	_ =	sdelay $0x4  }
0x91: {  	v53 =	vshrl.u32 v3, $0x3  }
0x92: {  	v4 =	vmul.u32 $0x18, v53  }
0x93: {  	v3 =	vand.u32 $0x7, v3  }
0x94: {  	v3 =	vor.u32 v3, v4  }
0x95: {  	v4 =	vperm.xlane v3, v0;
	_ =	sdelay $0x1  }
0x96: {  	v4 =	vadd.s32 v1, v4;
	_ =	sdelay $0x1  }
0x97: {  	v3 =	vperm.xlane v3, v2;
	_ =	sdelay $0x1  }
0x98: {  	s0 =	rddreg [dreg:$0x1b];
	v3 =	vadd.s32 v1, v3  }
0x99: {  	[tilespmem:s0], [sflag:$0x1] =	stream.indirect_vreg.gather [hbm4b:s3+s2], $0x80, v4, vm0, $0xb8;
	[tilespmem:$0x18100] =	vst v63  }
0x9a: {  	s9 =	rddreg [dreg:$0x1c]  }
0x9b: {  	[tilespmem:s9], [sflag:$0x1] =	stream.indirect_vreg.gather [hbm4b:s4+s2], $0x80, v4, vm1, $0xb8;
	[tilespmem:$0x18100] =	vst v63  }
0x9c: {  	s0 =	rddreg [dreg:$0x1d]  }
0x9d: {  	[tilespmem:s0], [sflag:$0x1] =	stream.indirect_vreg.gather [hbm4b:s3+s2], $0x80, v3, vm0, $0xb8;
	[tilespmem:$0x18100] =	vst v63  }
0x9e: {  	s9 =	rddreg [dreg:$0x1e]  }
0x9f: {  	[tilespmem:s9], [sflag:$0x1] =	stream.indirect_vreg.gather [hbm4b:s4+s2], $0x80, v3, vm1, $0xb8;
	[tilespmem:$0x18100] =	vst v63  }
0xa0: {  	v3 =	vld [tilespmem:$0x60];
	_ =	sdelay $0x4  }
0xa1: {  	v54 =	vshrl.u32 v3, $0x3  }
0xa2: {  	v4 =	vmul.u32 $0x18, v54  }
0xa3: {  	v3 =	vand.u32 $0x7, v3  }
0xa4: {  	v3 =	vor.u32 v3, v4  }
0xa5: {  	v4 =	vperm.xlane v3, v0;
	_ =	sdelay $0x1  }
0xa6: {  	v4 =	vadd.s32 v1, v4;
	_ =	sdelay $0x1  }
0xa7: {  	v3 =	vperm.xlane v3, v2  }
0xa8: {  	s0 =	rddreg [dreg:$0x1f]  }
0xa9: {  	s9 =	sld [smem:$0x7ED];
	v3 =	vadd.s32 v1, v3  }
0xaa: {  	[tilespmem:s0], [sflag:$0x1] =	stream.indirect_vreg.gather [hbm4b:s3+s2], $0x80, v4, vm0, $0xb8;
	[tilespmem:$0x18100] =	vst v63  }
0xab: {  	s0 =	sld [smem:$0x7EE]  }
0xac: {  	[tilespmem:s9], [sflag:$0x1] =	stream.indirect_vreg.gather [hbm4b:s4+s2], $0x80, v4, vm1, $0xb8;
	[tilespmem:$0x18100] =	vst v63  }
0xad: {  	s9 =	sld [smem:$0x7EF]  }
0xae: {  	[tilespmem:s0], [sflag:$0x1] =	stream.indirect_vreg.gather [hbm4b:s3+s2], $0x80, v3, vm0, $0xb8;
	[tilespmem:$0x18100] =	vst v63  }
0xaf: {  	_ = 	snop  }
0xb0: {  	[tilespmem:s9], [sflag:$0x1] =	stream.indirect_vreg.gather [hbm4b:s4+s2], $0x80, v3, vm1, $0xb8;
	[tilespmem:$0x18100] =	vst v63  }
0xb1: {  	v3 =	vld [tilespmem:$0x70];
	_ =	sdelay $0x4  }
0xb2: {  	v55 =	vshrl.u32 v3, $0x3  }
0xb3: {  	v4 =	vmul.u32 $0x18, v55  }
0xb4: {  	v3 =	vand.u32 $0x7, v3  }
0xb5: {  	v3 =	vor.u32 v3, v4  }
0xb6: {  	v4 =	vperm.xlane v3, v0;
	_ =	sdelay $0x1  }
0xb7: {  	v4 =	vadd.s32 v1, v4;
	_ =	sdelay $0x1  }
0xb8: {  	s0 =	sld [smem:$0x7F0];
	v3 =	vperm.xlane v3, v2;
	_ =	sdelay $0x1  }
0xb9: {  	s9 =	sld [smem:$0x7F1];
	v3 =	vadd.s32 v1, v3  }
0xba: {  	[tilespmem:s0], [sflag:$0x1] =	stream.indirect_vreg.gather [hbm4b:s3+s2], $0x80, v4, vm0, $0xb8;
	[tilespmem:$0x18100] =	vst v63  }
0xbb: {  	s0 =	sld [smem:$0x7F2]  }
0xbc: {  	[tilespmem:s9], [sflag:$0x1] =	stream.indirect_vreg.gather [hbm4b:s4+s2], $0x80, v4, vm1, $0xb8;
	[tilespmem:$0x18100] =	vst v63  }
0xbd: {  	s9 =	sld [smem:$0x7F3]  }
0xbe: {  	[tilespmem:s0], [sflag:$0x1] =	stream.indirect_vreg.gather [hbm4b:s3+s2], $0x80, v3, vm0, $0xb8;
	[tilespmem:$0x18100] =	vst v63  }
0xbf: {  	_ = 	snop  }
0xc0: {  	[tilespmem:s9], [sflag:$0x1] =	stream.indirect_vreg.gather [hbm4b:s4+s2], $0x80, v3, vm1, $0xb8;
	[tilespmem:$0x18100] =	vst v63  }
0xc1: {  	v3 =	vld [tilespmem:$0x80];
	_ =	sdelay $0x4  }
0xc2: {  	v56 =	vshrl.u32 v3, $0x3  }
0xc3: {  	v4 =	vmul.u32 $0x18, v56  }
0xc4: {  	v3 =	vand.u32 $0x7, v3  }
0xc5: {  	v3 =	vor.u32 v3, v4  }
0xc6: {  	v4 =	vperm.xlane v3, v0;
	_ =	sdelay $0x1  }
0xc7: {  	v4 =	vadd.s32 v1, v4;
	_ =	sdelay $0x1  }
0xc8: {  	v3 =	vperm.xlane v3, v2;
	_ =	sdelay $0x1  }
0xc9: {  	s0 =	sld [smem:$0x7F4];
	v3 =	vadd.s32 v1, v3  }
0xca: {  	[tilespmem:s8], [sflag:$0x2] =	stream.indirect_vreg.gather [hbm4b:s3+s2], $0x80, v4, vm0, $0xb8;
	[tilespmem:$0x18100] =	vst v63  }
0xcb: {  	s9 =	sld [smem:$0x7F5]  }
0xcc: {  	[tilespmem:s0], [sflag:$0x2] =	stream.indirect_vreg.gather [hbm4b:s4+s2], $0x80, v4, vm1, $0xb8;
	[tilespmem:$0x18100] =	vst v63  }
0xcd: {  	s0 =	sld [smem:$0x7F6]  }
0xce: {  	[tilespmem:s9], [sflag:$0x2] =	stream.indirect_vreg.gather [hbm4b:s3+s2], $0x80, v3, vm0, $0xb8;
	[tilespmem:$0x18100] =	vst v63  }
0xcf: {  	_ = 	snop  }
0xd0: {  	[tilespmem:s0], [sflag:$0x2] =	stream.indirect_vreg.gather [hbm4b:s4+s2], $0x80, v3, vm1, $0xb8;
	[tilespmem:$0x18100] =	vst v63  }
0xd1: {  	v3 =	vld [tilespmem:$0x90];
	_ =	sdelay $0x4  }
0xd2: {  	v57 =	vshrl.u32 v3, $0x3  }
0xd3: {  	v4 =	vmul.u32 $0x18, v57  }
0xd4: {  	v3 =	vand.u32 $0x7, v3  }
0xd5: {  	v3 =	vor.u32 v3, v4  }
0xd6: {  	v4 =	vperm.xlane v3, v0;
	_ =	sdelay $0x1  }
0xd7: {  	v4 =	vadd.s32 v1, v4;
	_ =	sdelay $0x1  }
0xd8: {  	s0 =	sld [smem:$0x7F7];
	v3 =	vperm.xlane v3, v2;
	_ =	sdelay $0x1  }
0xd9: {  	s9 =	sld [smem:$0x7F8];
	v3 =	vadd.s32 v1, v3  }
0xda: {  	[tilespmem:s0], [sflag:$0x2] =	stream.indirect_vreg.gather [hbm4b:s3+s2], $0x80, v4, vm0, $0xb8;
	[tilespmem:$0x18100] =	vst v63  }
0xdb: {  	s0 =	sld [smem:$0x7F9]  }
0xdc: {  	[tilespmem:s9], [sflag:$0x2] =	stream.indirect_vreg.gather [hbm4b:s4+s2], $0x80, v4, vm1, $0xb8;
	[tilespmem:$0x18100] =	vst v63  }
0xdd: {  	s9 =	sld [smem:$0x7FA]  }
0xde: {  	[tilespmem:s0], [sflag:$0x2] =	stream.indirect_vreg.gather [hbm4b:s3+s2], $0x80, v3, vm0, $0xb8;
	[tilespmem:$0x18100] =	vst v63  }
0xdf: {  	_ = 	snop  }
0xe0: {  	[tilespmem:s9], [sflag:$0x2] =	stream.indirect_vreg.gather [hbm4b:s4+s2], $0x80, v3, vm1, $0xb8;
	[tilespmem:$0x18100] =	vst v63  }
0xe1: {  	v3 =	vld [tilespmem:$0xA0];
	_ =	sdelay $0x4  }
0xe2: {  	v58 =	vshrl.u32 v3, $0x3  }
0xe3: {  	v4 =	vmul.u32 $0x18, v58  }
0xe4: {  	v3 =	vand.u32 $0x7, v3  }
0xe5: {  	v3 =	vor.u32 v3, v4  }
0xe6: {  	v4 =	vperm.xlane v3, v0;
	_ =	sdelay $0x1  }
0xe7: {  	v4 =	vadd.s32 v1, v4;
	_ =	sdelay $0x1  }
0xe8: {  	s0 =	sld [smem:$0x7FB];
	v3 =	vperm.xlane v3, v2;
	_ =	sdelay $0x1  }
0xe9: {  	s9 =	sld [smem:$0x7FC];
	v3 =	vadd.s32 v1, v3  }
0xea: {  	[tilespmem:s0], [sflag:$0x2] =	stream.indirect_vreg.gather [hbm4b:s3+s2], $0x80, v4, vm0, $0xb8;
	[tilespmem:$0x18100] =	vst v63  }
0xeb: {  	s0 =	sld [smem:$0x7FD]  }
0xec: {  	[tilespmem:s9], [sflag:$0x2] =	stream.indirect_vreg.gather [hbm4b:s4+s2], $0x80, v4, vm1, $0xb8;
	[tilespmem:$0x18100] =	vst v63  }
0xed: {  	_ = 	snop  }
0xee: {  	[tilespmem:s0], [sflag:$0x2] =	stream.indirect_vreg.gather [hbm4b:s3+s2], $0x80, v3, vm0, $0xb8;
	[tilespmem:$0x18100] =	vst v63  }
0xef: {  	s9 =	simm.s32 $0x10500  }
0xf0: {  	[tilespmem:s9], [sflag:$0x2] =	stream.indirect_vreg.gather [hbm4b:s4+s2], $0x80, v3, vm1, $0xb8;
	[tilespmem:$0x18100] =	vst v63  }
0xf1: {  	v3 =	vld [tilespmem:$0xB0];
	_ =	sdelay $0x4  }
0xf2: {  	v59 =	vshrl.u32 v3, $0x3  }
0xf3: {  	v4 =	vmul.u32 $0x18, v59  }
0xf4: {  	v3 =	vand.u32 $0x7, v3  }
0xf5: {  	v3 =	vor.u32 v3, v4  }
0xf6: {  	v4 =	vperm.xlane v3, v0;
	_ =	sdelay $0x1  }
0xf7: {  	v4 =	vadd.s32 v1, v4;
	_ =	sdelay $0x1  }
0xf8: {  	v3 =	vperm.xlane v3, v2;
	_ =	sdelay $0x1  }
0xf9: {  	v3 =	vadd.s32 v1, v3  }
0xfa: {  	[tilespmem:s10], [sflag:$0x2] =	stream.indirect_vreg.gather [hbm4b:s3+s2], $0x80, v4, vm0, $0xb8;
	[tilespmem:$0x18100] =	vst v63  }
0xfb: {  	_ = 	snop  }
0xfc: {  	[tilespmem:s11], [sflag:$0x2] =	stream.indirect_vreg.gather [hbm4b:s4+s2], $0x80, v4, vm1, $0xb8;
	[tilespmem:$0x18100] =	vst v63  }
0xfd: {  	_ = 	snop  }
0xfe: {  	[tilespmem:s12], [sflag:$0x2] =	stream.indirect_vreg.gather [hbm4b:s3+s2], $0x80, v3, vm0, $0xb8;
	[tilespmem:$0x18100] =	vst v63  }
0xff: {  	_ = 	snop  }
0x100: {  	[tilespmem:s13], [sflag:$0x2] =	stream.indirect_vreg.gather [hbm4b:s4+s2], $0x80, v3, vm1, $0xb8;
	[tilespmem:$0x18100] =	vst v63  }
0x101: {  	v3 =	vld [tilespmem:$0xC0];
	_ =	sdelay $0x4  }
0x102: {  	v60 =	vshrl.u32 v3, $0x3  }
0x103: {  	v4 =	vmul.u32 $0x18, v60  }
0x104: {  	v3 =	vand.u32 $0x7, v3  }
0x105: {  	v3 =	vor.u32 v3, v4  }
0x106: {  	v4 =	vperm.xlane v3, v0;
	_ =	sdelay $0x1  }
0x107: {  	v4 =	vadd.s32 v1, v4;
	_ =	sdelay $0x1  }
0x108: {  	v3 =	vperm.xlane v3, v2;
	_ =	sdelay $0x1  }
0x109: {  	v3 =	vadd.s32 v1, v3  }
0x10a: {  	[tilespmem:s14], [sflag:$0x2] =	stream.indirect_vreg.gather [hbm4b:s3+s2], $0x80, v4, vm0, $0xb8;
	[tilespmem:$0x18100] =	vst v63  }
0x10b: {  	_ = 	snop  }
0x10c: {  	[tilespmem:s15], [sflag:$0x2] =	stream.indirect_vreg.gather [hbm4b:s4+s2], $0x80, v4, vm1, $0xb8;
	[tilespmem:$0x18100] =	vst v63  }
0x10d: {  	_ = 	snop  }
0x10e: {  	[tilespmem:s16], [sflag:$0x2] =	stream.indirect_vreg.gather [hbm4b:s3+s2], $0x80, v3, vm0, $0xb8;
	[tilespmem:$0x18100] =	vst v63  }
0x10f: {  	_ = 	snop  }
0x110: {  	[tilespmem:s17], [sflag:$0x2] =	stream.indirect_vreg.gather [hbm4b:s4+s2], $0x80, v3, vm1, $0xb8;
	[tilespmem:$0x18100] =	vst v63  }
0x111: {  	v3 =	vld [tilespmem:$0xD0];
	_ =	sdelay $0x4  }
0x112: {  	v61 =	vshrl.u32 v3, $0x3  }
0x113: {  	v4 =	vmul.u32 $0x18, v61  }
0x114: {  	v3 =	vand.u32 $0x7, v3  }
0x115: {  	v3 =	vor.u32 v3, v4  }
0x116: {  	v4 =	vperm.xlane v3, v0;
	_ =	sdelay $0x1  }
0x117: {  	v4 =	vadd.s32 v1, v4;
	_ =	sdelay $0x1  }
0x118: {  	v3 =	vperm.xlane v3, v2;
	_ =	sdelay $0x1  }
0x119: {  	v3 =	vadd.s32 v1, v3  }
0x11a: {  	[tilespmem:s18], [sflag:$0x2] =	stream.indirect_vreg.gather [hbm4b:s3+s2], $0x80, v4, vm0, $0xb8;
	[tilespmem:$0x18100] =	vst v63  }
0x11b: {  	_ = 	snop  }
0x11c: {  	[tilespmem:s19], [sflag:$0x2] =	stream.indirect_vreg.gather [hbm4b:s4+s2], $0x80, v4, vm1, $0xb8;
	[tilespmem:$0x18100] =	vst v63  }
0x11d: {  	_ = 	snop  }
0x11e: {  	[tilespmem:s20], [sflag:$0x2] =	stream.indirect_vreg.gather [hbm4b:s3+s2], $0x80, v3, vm0, $0xb8;
	[tilespmem:$0x18100] =	vst v63  }
0x11f: {  	_ = 	snop  }
0x120: {  	[tilespmem:s21], [sflag:$0x2] =	stream.indirect_vreg.gather [hbm4b:s4+s2], $0x80, v3, vm1, $0xb8;
	[tilespmem:$0x18100] =	vst v63  }
0x121: {  	v3 =	vld [tilespmem:$0xE0];
	_ =	sdelay $0x4  }
0x122: {  	v62 =	vshrl.u32 v3, $0x3  }
0x123: {  	v4 =	vmul.u32 $0x18, v62  }
0x124: {  	v3 =	vand.u32 $0x7, v3  }
0x125: {  	v3 =	vor.u32 v3, v4  }
0x126: {  	v4 =	vperm.xlane v3, v0;
	_ =	sdelay $0x1  }
0x127: {  	v4 =	vadd.s32 v1, v4;
	_ =	sdelay $0x1  }
0x128: {  	v3 =	vperm.xlane v3, v2;
	_ =	sdelay $0x1  }
0x129: {  	v3 =	vadd.s32 v1, v3  }
0x12a: {  	[tilespmem:s22], [sflag:$0x2] =	stream.indirect_vreg.gather [hbm4b:s3+s2], $0x80, v4, vm0, $0xb8;
	[tilespmem:$0x18100] =	vst v63  }
0x12b: {  	_ = 	snop  }
0x12c: {  	[tilespmem:s23], [sflag:$0x2] =	stream.indirect_vreg.gather [hbm4b:s4+s2], $0x80, v4, vm1, $0xb8;
	[tilespmem:$0x18100] =	vst v63  }
0x12d: {  	_ = 	snop  }
0x12e: {  	[tilespmem:s24], [sflag:$0x2] =	stream.indirect_vreg.gather [hbm4b:s3+s2], $0x80, v3, vm0, $0xb8;
	[tilespmem:$0x18100] =	vst v63  }
0x12f: {  	_ = 	snop  }
0x130: {  	[tilespmem:s25], [sflag:$0x2] =	stream.indirect_vreg.gather [hbm4b:s4+s2], $0x80, v3, vm1, $0xb8;
	[tilespmem:$0x18100] =	vst v63  }
0x131: {  	v3 =	vld [tilespmem:$0xF0];
	_ =	sdelay $0x4  }
0x132: {  	v63 =	vshrl.u32 v3, $0x3  }
0x133: {  	v4 =	vmul.u32 $0x18, v63  }
0x134: {  	v3 =	vand.u32 $0x7, v3  }
0x135: {  	v3 =	vor.u32 v3, v4  }
0x136: {  	v4 =	vperm.xlane v3, v0;
	_ =	sdelay $0x1  }
0x137: {  	v4 =	vadd.s32 v1, v4;
	_ =	sdelay $0x1  }
0x138: {  	v3 =	vperm.xlane v3, v2;
	_ =	sdelay $0x1  }
0x139: {  	v3 =	vadd.s32 v1, v3  }
0x13a: {  	[tilespmem:s26], [sflag:$0x2] =	stream.indirect_vreg.gather [hbm4b:s3+s2], $0x80, v4, vm0, $0xb8;
	[tilespmem:$0x18100] =	vst v63  }
0x13b: {  	_ = 	snop  }
0x13c: {  	[tilespmem:s28], [sflag:$0x2] =	stream.indirect_vreg.gather [hbm4b:s4+s2], $0x80, v4, vm1, $0xb8;
	[tilespmem:$0x18100] =	vst v63  }
0x13d: {  	_ = 	snop  }
0x13e: {  	[tilespmem:s29], [sflag:$0x2] =	stream.indirect_vreg.gather [hbm4b:s3+s2], $0x80, v3, vm0, $0xb8;
	[tilespmem:$0x18100] =	vst v63  }
0x13f: {  	_ = 	snop  }
0x140: {  	[tilespmem:s30], [sflag:$0x2] =	stream.indirect_vreg.gather [hbm4b:s4+s2], $0x80, v3, vm1, $0xb8;
	[tilespmem:$0x18100] =	vst v63  }
0x141: {  	_ =	swait.ge [sflag:s31], $0xC000  }
0x142: {  	[sflag:s31] =	ssyncset.done $0x0  }
0x143: {  	s9 =	rddreg [dreg:$0x5];
	[sflag:s31] =	ssyncadd.s32 $0xFFFF4000  }
0x144: {  	[hbm4b:s9+s2] =	stream.linear.scatter [tilespmem:s7], [sflag:$0x3], $0xC000, $0x38;
	[tilespmem:$0x18100] =	vst v63  }
0x145: {  	_ =	swait.ge [sflag:s6], $0xC000  }
0x146: {  	[sflag:s6] =	ssyncset.done $0x0  }
0x147: {  	[sflag:s6] =	ssyncadd.s32 $0xFFFF4000  }
0x148: {  	_ =	swait.ge [sflag:s1], $0xC000  }
0x149: {  	p0 =	sne.s32 s5, $0x1;
	[sflag:s1] =	ssyncset.done $0x0  }
.Ltmp0:
0x14a: {  	s9 =	rddreg [dreg:$0x6];
	[sflag:s1] =	ssyncadd.s32 $0xFFFF4000;
	(pc) =	sbr.rel @p0 .LBB2_1-.Ltmp0, $4  }
0x14b: {  	[hbm4b:s9+s2] =	stream.linear.scatter [tilespmem:s8], [sflag:$0x3], $0xC000, $0x38;
	[tilespmem:$0x18100] =	vst v63  }
0x14c: {  	_ =	swait.ge [sflag:s6], $0xC000  }
0x14d: {  	[sflag:s6] =	ssyncset.done $0x0  }
0x14e: {  	s5 =	sadd.s32 $0xFFFFFFFF, s5;
	[sflag:s6] =	ssyncadd.s32 $0xFFFF4000  }
0x14f: {  	_ =	sfence.sel $0x180000  }
0x150: {  	[bflag:$0x0] =	sbarrier.arrive $0xFFFF  }
0x151: {  	_ =	strace $0x9000004A  }
0x152: {  	s0 =	stileid.u32;
	[bflag:$0x2] =	sbarrier.arrive $0xFFFF  }
0x153: {  	p0 =	sne.s32 s0, $0x0;
	s0 =	rddreg [dreg:$0x2]  }
0x154: {  	s0 =	sadd.s32 @!p0 $0x100000, s0  }
0x155: {  	[sflag:s0] =	ssyncadd.tile.s32 @!p0 $0x1;
	_ =	shalt  }
.Lfunc_end2:
_tile_overlayer_lowered:
.L_overlay_start_2:
0x156: {  	(tag) =	ssettag $0x2  }
0x157: {  	s0 =	rddreg [dreg:$0x0];
	s2 =	stileid.u32  }
0x158: {  	s1 =	rddreg [dreg:$0x1];
	p0 =	sne.s32 s2, $0x0  }
0x159: {  	s3 =	rddreg [dreg:$0x2];
	[bflag:$0x3] =	sbarrier.arrive $0xFFFF;
	s2 =	simm.s32 @!p0 $0x1C03  }
0x15a: {  	[timem:s3], [sflag:s2] =	dma.local @!p0 [hbm:s0], s1  }
0x15b: {  	s0 =	simm.s32 @!p0 $0x3  }
0x15c: {  	_ =	swait.ge @!p0 [sflag:s0], s1  }
0x15d: {  	s1 =	ssub.s32 @!p0 $0x0, s1;
	[sflag:s0] =	ssyncset.done @!p0 $0x0  }
0x15e: {  	[sflag:s0] =	ssyncadd.s32 @!p0 s1  }
0x15f: {  	[bflag:$0x3] =	sbarrier.arrive $0xFFFF  }
0x160: {  	_ =	shalt  }

// kernel: kernel.7.cloned.1.call-start
scs
__scs_entry_jumppad:
0x0: {  	(pc) =	sbr.rel $0x88, $3  }
0x1: {  	(tag) =	ssettag $0x0;
	lr =	simm.s32 $0x1  }
0x2: {  	[smem:$0x3F98] =	sst lr;
	_ =	strace $0xD0000000  }
0x3: {  	_ = 	snop  }
0x4: {  	_ = 	snop  }
0x5: {  	_ = 	snop  }
0x6: {  	_ = 	snop  }
0x7: {  	_ = 	snop  }
__scs_overlays_trampoline_lowered:
0x8: {  	[smem:$0x3FA7] =	sst s0  }
0x9: {  	[smem:$0x3FA8] =	sst s1  }
0xa: {  	[smem:$0x3FA9] =	sst s2  }
0xb: {  	[smem:$0x3FAA] =	sst s3  }
0xc: {  	[smem:$0x3FAB] =	sst s4  }
0xd: {  	[smem:$0x3FAC] =	sst s5  }
0xe: {  	[smem:$0x3FAD] =	sst s6  }
0xf: {  	[smem:$0x3FAE] =	sst s7  }
0x10: {  	[smem:$0x3FAF] =	sst s8  }
0x11: {  	[smem:$0x3FB0] =	sst s9;
	s0 =	simm.s32 @!p0 $0x0  }
0x12: {  	s1 =	sld [smem:$0x3F96];
	s0 =	simm.s32 @p0 $0x1  }
0x13: {  	[smem:$0x3FB1] =	sst s0;
	s0 =	simm.s32 @!p1 $0x0  }
0x14: {  	s2 =	sld [smem:$0x3F95];
	s0 =	simm.s32 @p1 $0x1  }
0x15: {  	[smem:$0x3FB2] =	sst s0;
	s0 =	simm.s32 @!p2 $0x0  }
0x16: {  	s3 =	sld [smem:$0x3FDB];
	s0 =	simm.s32 @p2 $0x1  }
0x17: {  	s4 =	simm.s32 $0x1BF5;
	[smem:$0x3FB4] =	sst s0  }
0x18: {  	s0 =	sld [smem:$0x3F97];
	_ =	swait.ge [sflag:s4], $0x0  }
0x19: {  	s7 =	sld [smem:$0x3F98]  }
0x1a: {  	s8 =	sadd.s32 $0xFFFFE003, lr  }
0x1b: {  	s9 =	sadd.s32 $0xFFFFFEF7, lr;
	s5 =	simm.s32 $0xFFFFFFFF;
	p2 =	slt.u32 s8, $0xFFFFF086  }
0x1c: {  	p1 =	slt.u32 s9, $0xF7A;
	s5 =	simm.s32 @!p2 $0x0  }
0x1d: {  	s5 =	simm.s32 @p1 $0x1;
	p0 =	seq.s32 s7, s2  }
0x1e: {  	s7 =	smul.u32 @!p0 $0xF7A, s2;
	p2 =	seq.s32 @!p0 s5, $0x0  }
0x1f: {  	s9 =	smul.u32 $0xF7A, s1;
	s8 =	simm.s32 @!p0 $0x1BF5;
	p2 =	por !p2, p0  }
0x20: {  	[sflag:s8] =	ssyncset.s32 @!p0 $0xFFFFF086;
	s6 =	sadd.s32 @!p0 s3, s7;
	s7 =	simm.s32 @!p0 $0x108  }
0x21: {  	s3 =	sadd.s32 s3, s9;
	s6 =	sadd.s32 @!p0 $0x88, s6;
	s7 =	simm.s32 @p2 $0x1082  }
0x22: {  	[simem:s7], [sflag:s8] =	dma.local @!p0 [hbm:s6], $0xF7A  }
0x23: {  	s9 =	sor.u32 $0xD0000000, s2;
	s6 =	simm.s32 $0x108;
	_ =	swait.ge @!p0 [sflag:s8], $0x0  }
0x24: {  	s3 =	sadd.s32 $0x88, s3;
	s6 =	simm.s32 @!p1 $0x1082;
	[sflag:s4] =	ssyncset.s32 $0xFFFFF086  }
0x25: {  	[simem:s6], [sflag:s4] =	dma.local [hbm:s3], $0xF7A  }
0x26: {  	[smem:$0x3F98] =	sst s1;
	(tag) =	ssettag s2;
	_ =	strace s9  }
0x27: {  	s1 =	sld [smem:$0x3FA8]  }
0x28: {  	s2 =	sld [smem:$0x3FA9]  }
0x29: {  	s4 =	sld [smem:$0x3FAB]  }
0x2a: {  	p0 =	seq.s32 s5, $0x0;
	s5 =	sld [smem:$0x3FAC]  }
0x2b: {  	s6 =	sld [smem:$0x3FAD]  }
0x2c: {  	s7 =	sld [smem:$0x3FAE]  }
0x2d: {  	s3 =	simm.s32 $0x108;
	s8 =	sld [smem:$0x3FAF]  }
0x2e: {  	s3 =	simm.s32 @!p0 $0x1082;
	s9 =	sld [smem:$0x3FB0]  }
0x2f: {  	lr =	sadd.s32 s0, s3;
	s0 =	sld [smem:$0x3FA7]  }
0x30: {  	s3 =	sld [smem:$0x3FAA]  }
0x31: {  	[smem:$0x3FB3] =	sst s10  }
0x32: {  	s10 =	sld [smem:$0x3FB1];
	_ =	sdelay $0x3  }
0x33: {  	p0 =	seq.s32 s10, $0x1;
	s10 =	sld [smem:$0x3FB3];
	_ =	sdelay $0x3  }
0x34: {  	[smem:$0x3FB3] =	sst s10  }
0x35: {  	s10 =	sld [smem:$0x3FB2];
	_ =	sdelay $0x3  }
0x36: {  	p1 =	seq.s32 s10, $0x1;
	s10 =	sld [smem:$0x3FB3];
	_ =	sdelay $0x3  }
0x37: {  	[smem:$0x3FB3] =	sst s10  }
0x38: {  	s10 =	sld [smem:$0x3FB4]  }
0x39: {  	_ = 	snop;
	(pc) =	sbr.ind lr, $3  }
0x3a: {  	_ = 	snop  }
0x3b: {  	_ = 	snop  }
0x3c: {  	p2 =	seq.s32 s10, $0x1;
	s10 =	sld [smem:$0x3FB3]  }
0x3d: {  	_ =	shalt  }
0x3e: {  	_ =	shalt  }
0x3f: {  	_ =	shalt  }
0x40: {  	_ =	shalt  }
0x41: {  	_ =	shalt  }
0x42: {  	_ =	shalt  }
0x43: {  	_ =	shalt  }
0x44: {  	_ =	shalt  }
0x45: {  	_ =	shalt  }
0x46: {  	_ =	shalt  }
0x47: {  	_ =	shalt  }
0x48: {  	_ =	shalt  }
0x49: {  	_ =	shalt  }
0x4a: {  	_ =	shalt  }
0x4b: {  	_ =	shalt  }
0x4c: {  	_ =	shalt  }
0x4d: {  	_ =	shalt  }
0x4e: {  	_ =	shalt  }
0x4f: {  	_ =	shalt  }
0x50: {  	_ =	shalt  }
0x51: {  	_ =	shalt  }
0x52: {  	_ =	shalt  }
0x53: {  	_ =	shalt  }
0x54: {  	_ =	shalt  }
0x55: {  	_ =	shalt  }
0x56: {  	_ =	shalt  }
0x57: {  	_ =	shalt  }
0x58: {  	_ =	shalt  }
0x59: {  	_ =	shalt  }
0x5a: {  	_ =	shalt  }
0x5b: {  	_ =	shalt  }
0x5c: {  	_ =	shalt  }
0x5d: {  	_ =	shalt  }
0x5e: {  	_ =	shalt  }
0x5f: {  	_ =	shalt  }
0x60: {  	_ =	shalt  }
0x61: {  	_ =	shalt  }
0x62: {  	_ =	shalt  }
0x63: {  	_ =	shalt  }
0x64: {  	_ =	shalt  }
0x65: {  	_ =	shalt  }
0x66: {  	_ =	shalt  }
0x67: {  	_ =	shalt  }
0x68: {  	_ =	shalt  }
0x69: {  	_ =	shalt  }
0x6a: {  	_ =	shalt  }
0x6b: {  	_ =	shalt  }
0x6c: {  	_ =	shalt  }
0x6d: {  	_ =	shalt  }
0x6e: {  	_ =	shalt  }
0x6f: {  	_ =	shalt  }
0x70: {  	_ =	shalt  }
0x71: {  	_ =	shalt  }
0x72: {  	_ =	shalt  }
0x73: {  	_ =	shalt  }
0x74: {  	_ =	shalt  }
0x75: {  	_ =	shalt  }
0x76: {  	_ =	shalt  }
0x77: {  	_ =	shalt  }
0x78: {  	_ =	shalt  }
0x79: {  	_ =	shalt  }
0x7a: {  	_ =	shalt  }
0x7b: {  	_ =	shalt  }
0x7c: {  	_ =	shalt  }
0x7d: {  	_ =	shalt  }
0x7e: {  	_ =	shalt  }
0x7f: {  	_ =	shalt  }
0x80: {  	_ =	shalt  }
0x81: {  	_ =	shalt  }
0x82: {  	_ =	shalt  }
0x83: {  	_ =	shalt  }
0x84: {  	_ =	shalt  }
0x85: {  	_ =	shalt  }
0x86: {  	_ =	shalt  }
0x87: {  	_ =	shalt  }
.Lfunc_end0:
.L_simem_size_0:
called_computation_lowered:
.L_overlay_start_0:
0x88: {  	s2 =	sld [smem:$0x3FD9]  }
0x89: {  	s3 =	sld [smem:$0x3FFE];
	_ =	sdelay $0x1  }
0x8a: {  	s1 =	srdreg.scid  }
0x8b: {  	s0 =	sand.u32 $0x1, s1  }
0x8c: {  	s17 =	sshll.u32 s0, $0xA;
	s2 =	sadd.s32 s3, s2  }
0x8d: {  	s2 =	sadd.s32 s2, s17  }
0x8e: {  	[smem:$0x3FBF] =	sst s2  }
0x8f: {  	_ = 	snop  }
0x90: {  	s2 =	sld [smem:$0x3FD0];
	(tm) =	ssettm $0x1  }
0x91: {  	s18 =	sld [smem:$0x3FFB];
	_ =	sdelay $0x3  }
0x92: {  	_ =	strace s18  }
0x93: {  	s3 =	sld [smem:$0x3FFC];
	_ =	sdelay $0x3  }
0x94: {  	_ =	strace s3  }
0x95: {  	s3 =	sld [smem:$0x3FFD];
	_ =	sdelay $0x3  }
0x96: {  	_ =	strace s3  }
0x97: {  	_ =	strace $0x8FFFFFFF  }
0x98: {  	s19 =	sld [smem:$0x3FDB];
	_ =	sdelay $0x1  }
0x99: {  	s4 =	simm.s32 $_scs_section_size  }
0x9a: {  	s5 =	simm.s32 $_size__tile_overlayer_lowered;
	s6 =	simm.s32 $_tile_overlayer_lowered  }
0x9b: {  	s22 =	simm.s32 $0x1BFF;
	s21 =	sshll.u32 s6, $0x1;
	s3 =	sadd.s32 s4, s19  }
0x9c: {  	s7 =	simm.s32 $0x0;
	s20 =	sshll.u32 s5, $0x1;
	s5 =	sadd.s32 s21, s3  }
0x9d: {  	[timem:s7], [sflag:s22] =	dma.local [hbm:s5], s20  }
0x9e: {  	_ =	swait.ge [sflag:s22], s20  }
0x9f: {  	s4 =	ssub.s32 $0x0, s20;
	[sflag:s22] =	ssyncset.done $0x0  }
0xa0: {  	[sflag:s22] =	ssyncadd.s32 s4;
	_ =	sdelay $0x1  }
0xa1: {  	s23 =	simm.s32 $0x1B8B  }
0xa2: {  	_ =	swait.ge [sflag:s23], $0x1  }
0xa3: {  	[sflag:s23] =	ssyncset.done $0x0  }
0xa4: {  	s25 =	simm.s32 $0x1B8E;
	s24 =	sld [smem:$0x3FFE];
	[sflag:s23] =	ssyncadd.s32 $0xFFFFFFFF  }
0xa5: {  	s26 =	simm.s32 $execute0_lowered;
	[smem:$0x3FD2] =	sst s25  }
0xa6: {  	s5 =	sshll.u32 s26, $0x1;
	_ =	strace $0x80000046;
	[dreg:$0x1] =	wrdreg $0xFFFFFFFF  }
0xa7: {  	s28 =	simm.s32 $_size_execute0_lowered;
	s3 =	sadd.s32 s3, s5;
	[dreg:$0x0] =	wrdreg $0x0  }
0xa8: {  	s5 =	sshll.u32 s28, $0x1;
	[dreg:$0x2] =	wrdreg s3  }
0xa9: {  	[dreg:$0x3] =	wrdreg s5  }
0xaa: {  	[dreg:$0x4] =	wrdreg $0xC0  }
0xab: {  	_ =	task [dreg:s7], $0x5FFFF  }
0xac: {  	[dreg:$0x1] =	wrdreg $0xFFFFFFFF  }
0xad: {  	[dreg:$0x0] =	wrdreg $0x60  }
0xae: {  	[dreg:$0x2] =	wrdreg s2  }
0xaf: {  	[dreg:$0x3] =	wrdreg s24  }
0xb0: {  	[dreg:$0x4] =	wrdreg $0x9  }
0xb1: {  	_ =	task.clear_ibuf [dreg:s7], $0x5FFFF;
	_ =	strace $0x90000046  }
0xb2: {  	s29 =	simm.s32 $0x9;
	_ =	strace $0x80000048  }
0xb3: {  	_ =	swait.ge [sflag:s29], $0x1  }
0xb4: {  	[sflag:s29] =	ssyncadd.s32 $0xFFFFFFFF  }
0xb5: {  	_ =	strace $0x90000048  }
0xb6: {  	_ =	sfence  }
0xb7: {  	s30 =	sld [smem:$0x0];
	_ =	sdelay $0x2  }
0xb8: {  	s31 =	sshll.u32 s1, $0xD;
	s1 =	sshrl.u32 s1, $0x2  }
0xb9: {  	s3 =	sand.u32 $0x4000, s31;
	s1 =	sadd.s32 s1, s30  }
0xba: {  	s0 =	sor.u32 s3, s0;
	s1 =	sshll.u32 s1, $0x11  }
0xbb: {  	s0 =	sor.u32 s1, s0  }
0xbc: {  	s0 =	sadd.s32 $0x8F2B, s0  }
0xbd: {  	[sflag:s0] =	ssyncadd.remote.s32 $0x1  }
0xbe: {  	_ =	sfence.sel $0xFFFF  }
0xbf: {  	[dreg:$0x0] =	wrdreg $0xFFFFFFFF;
	(pc) =	sbr.abs _section_cstart, $3  }
0xc0: {  	[dreg:$0x1] =	wrdreg $0xFFFFFFFF  }
0xc1: {  	_ =	task.clear_ibuf [dreg:s7], $0x2FFFF;
	_ =	strace $0x9FFFFFFF  }
0xc2: {  	(tm) =	ssettm $0x7FFFFFFF  }
0xc3: {  	_ =	shalt  }
tec
execute0_lowered:
.L_overlay_start_1:
0x0: {  	(tag) =	ssettag $0x1  }
0x1: {  	s3 =	rddreg [dreg:$0x0]  }
0x2: {  	s0 =	rddreg [dreg:$0x1];
	s2 =	simm.s32 $0x0  }
0x3: {  	s10 =	simm.s32 $0x1500;
	[smem:$0x7FF] =	sst s2  }
0x4: {  	s11 =	simm.s32 $0x1900;
	_ =	strace $0x80000047;
	[dreg:$0xa] =	wrdreg s10  }
0x5: {  	s12 =	simm.s32 $0x2100;
	[dreg:$0xb] =	wrdreg s11  }
0x6: {  	s13 =	simm.s32 $0x2500;
	[dreg:$0xc] =	wrdreg s12  }
0x7: {  	s14 =	simm.s32 $0x2D00;
	[dreg:$0xd] =	wrdreg s13  }
0x8: {  	s15 =	simm.s32 $0x3100;
	[dreg:$0xe] =	wrdreg s14  }
0x9: {  	s16 =	simm.s32 $0x3900;
	[dreg:$0xf] =	wrdreg s15  }
0xa: {  	s17 =	simm.s32 $0x3D00;
	[dreg:$0x10] =	wrdreg s16  }
0xb: {  	s18 =	simm.s32 $0x4500;
	[dreg:$0x11] =	wrdreg s17  }
0xc: {  	s19 =	simm.s32 $0x4900;
	[dreg:$0x12] =	wrdreg s18  }
0xd: {  	s20 =	simm.s32 $0x5100;
	[dreg:$0x13] =	wrdreg s19  }
0xe: {  	s21 =	simm.s32 $0x5500;
	[dreg:$0x14] =	wrdreg s20  }
0xf: {  	s22 =	simm.s32 $0x5D00;
	[dreg:$0x15] =	wrdreg s21  }
0x10: {  	s23 =	simm.s32 $0x6100;
	[dreg:$0x16] =	wrdreg s22  }
0x11: {  	s4 =	srdreg.scid;
	[dreg:$0x17] =	wrdreg s23;
	s10 =	simm.s32 $0x9D00  }
0x12: {  	s1 =	stileid.u32;
	s11 =	simm.s32 $0xA500;
	[smem:$0x7EE] =	sst s10  }
0x13: {  	s28 =	simm.s32 $0x16500;
	s12 =	simm.s32 $0xA900;
	[smem:$0x7EF] =	sst s11  }
0x14: {  	s29 =	simm.s32 $0x16900;
	s13 =	simm.s32 $0xB100;
	[smem:$0x7F0] =	sst s12  }
0x15: {  	s30 =	simm.s32 $0x17100;
	s14 =	simm.s32 $0xB500;
	[smem:$0x7F1] =	sst s13  }
0x16: {  	s31 =	simm.s32 $0x17500;
	s15 =	simm.s32 $0xBD00;
	[smem:$0x7F2] =	sst s14  }
0x17: {  	s4 =	sand.u32 $0x1, s4;
	s16 =	simm.s32 $0xC900;
	[smem:$0x7F3] =	sst s15  }
0x18: {  	s5 =	sshll.u32 s1, $0x6;
	s17 =	simm.s32 $0xCD00;
	[smem:$0x7F4] =	sst s16  }
0x19: {  	s24 =	sadd.s32 $0x1E00, s0;
	s18 =	simm.s32 $0xD500;
	[smem:$0x7F5] =	sst s17  }
0x1a: {  	s6 =	sshll.u32 s4, $0x5;
	s20 =	simm.s32 $0xD900;
	[smem:$0x7F6] =	sst s18  }
0x1b: {  	s4 =	ssub.s32 $0x2, s4;
	s21 =	simm.s32 $0xE100;
	[smem:$0x7F7] =	sst s20  }
0x1c: {  	s22 =	simm.s32 $0xE500;
	s23 =	simm.s32 $0xED00;
	[smem:$0x7F8] =	sst s21  }
0x1d: {  	s5 =	sor.u32 s6, s5;
	s6 =	simm.s32 $0x8500;
	[smem:$0x7F9] =	sst s22  }
0x1e: {  	s19 =	sshrl.u32 s4, $0x1;
	[smem:$0x7FA] =	sst s23;
	s10 =	simm.s32 $0x2  }
0x1f: {  	s12 =	simm.s32 $0x10900;
	s13 =	simm.s32 $0x11100;
	s14 =	simm.s32 $0x11500  }
0x20: {  	s15 =	simm.s32 $0x11D00;
	s16 =	simm.s32 $0x12100;
	s7 =	sor.u32 $0x10, s5  }
0x21: {  	s8 =	sand.u32 $0x1E0, s5;
	s5 =	sadd.s32 s24, s5;
	[dreg:$0x1d] =	wrdreg s6  }
0x22: {  	s17 =	simm.s32 $0x12900;
	[dreg:$0x3] =	wrdreg s5;
	s25 =	sadd.s32 s24, s7  }
0x23: {  	s9 =	sand.u32 $0x1F0, s7;
	s7 =	simm.s32 $0x80;
	[dreg:$0x4] =	wrdreg s25  }
0x24: {  	s18 =	simm.s32 $0x12D00;
	s24 =	simm.s32 $0x6900;
	[dreg:$0x7] =	wrdreg s7  }
0x25: {  	s20 =	simm.s32 $0x13900;
	s5 =	simm.s32 $0x8100;
	[dreg:$0x18] =	wrdreg s24  }
0x26: {  	s26 =	smul.u32 $0x180, s9;
	s9 =	simm.s32 $0xD00;
	[dreg:$0x1c] =	wrdreg s5  }
0x27: {  	s21 =	simm.s32 $0x14100;
	s25 =	simm.s32 $0x6D00;
	[dreg:$0x9] =	wrdreg s9  }
0x28: {  	s8 =	smul.u32 $0x180, s8;
	s7 =	simm.s32 $0x8D00;
	[dreg:$0x19] =	wrdreg s25  }
0x29: {  	s22 =	simm.s32 $0x14500;
	s24 =	simm.s32 $0xF100;
	[dreg:$0x1e] =	wrdreg s7  }
0x2a: {  	s23 =	simm.s32 $0x14D00;
	s1 =	sadd.s32 s3, s8;
	[smem:$0x7FB] =	sst s24  }
0x2b: {  	s6 =	ssub.s32 s4, s19;
	s8 =	simm.s32 $0x900;
	[dreg:$0x5] =	wrdreg s1  }
0x2c: {  	s4 =	sadd.s32 $0x2300, s0;
	s9 =	simm.s32 $0x9900;
	[dreg:$0x8] =	wrdreg s8  }
0x2d: {  	s19 =	simm.s32 $0x13500;
	s25 =	simm.s32 $0xF900;
	[smem:$0x7ED] =	sst s9  }
0x2e: {  	s5 =	smax.u32 s6, $0x1;
	s3 =	sadd.s32 s3, s26;
	[smem:$0x7FC] =	sst s25  }
0x2f: {  	s6 =	simm.s32 $0x3;
	s26 =	simm.s32 $0x7500;
	[dreg:$0x6] =	wrdreg s3  }
0x30: {  	s7 =	simm.s32 $0x100;
	s1 =	simm.s32 $0x7900;
	[dreg:$0x1a] =	wrdreg s26  }
0x31: {  	s24 =	simm.s32 $0x15100;
	s8 =	simm.s32 $0x9100;
	[dreg:$0x1b] =	wrdreg s1  }
0x32: {  	v2 =	vlaneseq.u32;
	s9 =	simm.s32 $0x1;
	s25 =	simm.s32 $0x15900;
	[dreg:$0x1f] =	wrdreg s8  }
0x33: {  	vm0 =	vmmov $0xffff;
	vm1 =	vmmov $0xff;
	v1 =	vshrl.u32 v2, $0x3;
	s3 =	sadd.s32 $0x2200, s0;
	s8 =	simm.s32 $0xC100;
	s26 =	simm.s32 $0xFD00  }
0x34: {  	v0 =	vand.u32 $0x7, v2;
	v2 =	vor.u32 $0x8, v2;
	v1 =	vmul.u32 $0x8, v1;
	s0 =	simm.s32 $0x17D00;
	[smem:$0x7FD] =	sst s26;
	s26 =	simm.s32 $0x15D00  }
.LBB2_1:
0x35: {  	s1 =	rddreg [dreg:$0x3]  }
0x36: {  	[tilespmem:s2], [sflag:$0x3] =	stream.linear.gather [hbm4b:s1+s2], $0x80, $0x38;
	[tilespmem:$0x18100] =	vst v63  }
0x37: {  	_ =	swait.ge [sflag:s6], $0x80  }
0x38: {  	s1 =	rddreg [dreg:$0x4];
	[sflag:s6] =	ssyncset.done $0x0  }
0x39: {  	s11 =	rddreg [dreg:$0x7];
	[sflag:s6] =	ssyncadd.s32 $0xFFFFFF80  }
0x3a: {  	[tilespmem:s11], [sflag:$0x3] =	stream.linear.gather [hbm4b:s1+s2], $0x80, $0x38;
	[tilespmem:$0x18100] =	vst v63  }
0x3b: {  	_ =	swait.ge [sflag:s6], $0x80  }
0x3c: {  	[sflag:s6] =	ssyncset.done $0x0  }
0x3d: {  	s1 =	rddreg [dreg:$0x5];
	[sflag:s6] =	ssyncadd.s32 $0xFFFFFF80  }
0x3e: {  	[tilespmem:s7], [sflag:$0x1] =	stream.linear.gather [hbm4b:s1+s2], $0xC000, $0x38;
	[tilespmem:$0x18100] =	vst v63  }
0x3f: {  	s11 =	rddreg [dreg:$0x6]  }
0x40: {  	[tilespmem:s8], [sflag:$0x2] =	stream.linear.gather [hbm4b:s11+s2], $0xC000, $0x38;
	[tilespmem:$0x18100] =	vst v63  }
0x41: {  	_ =	swait.ge [sflag:s9], $0xC000  }
0x42: {  	[sflag:s9] =	ssyncset.done $0x0  }
0x43: {  	[sflag:s9] =	ssyncadd.s32 $0xFFFF4000  }
0x44: {  	v3 =	vld [tilespmem:$0x0];
	_ =	sdelay $0x4  }
0x45: {  	v4 =	vshrl.u32 v3, $0x3  }
0x46: {  	v4 =	vmul.u32 $0x18, v4  }
0x47: {  	v3 =	vand.u32 $0x7, v3  }
0x48: {  	v3 =	vor.u32 v3, v4  }
0x49: {  	v4 =	vperm.xlane v3, v0;
	_ =	sdelay $0x1  }
0x4a: {  	v4 =	vadd.s32 v1, v4;
	_ =	sdelay $0x1  }
0x4b: {  	v3 =	vperm.xlane v3, v2;
	_ =	sdelay $0x1  }
0x4c: {  	v3 =	vadd.s32 v1, v3  }
0x4d: {  	[hbm4b:s3+s2] =	stream.indirect_vreg.scatter [tilespmem:s7], [sflag:$0x3], $0x80, v4, vm0, $0xb8;
	[tilespmem:$0x18100] =	vst v63  }
0x4e: {  	s1 =	rddreg [dreg:$0x8]  }
0x4f: {  	[hbm4b:s4+s2] =	stream.indirect_vreg.scatter [tilespmem:s1], [sflag:$0x3], $0x80, v4, vm1, $0xb8;
	[tilespmem:$0x18100] =	vst v63  }
0x50: {  	s11 =	rddreg [dreg:$0x9]  }
0x51: {  	[hbm4b:s3+s2] =	stream.indirect_vreg.scatter [tilespmem:s11], [sflag:$0x3], $0x80, v3, vm0, $0xb8;
	[tilespmem:$0x18100] =	vst v63  }
0x52: {  	s1 =	rddreg [dreg:$0xa]  }
0x53: {  	[hbm4b:s4+s2] =	stream.indirect_vreg.scatter [tilespmem:s1], [sflag:$0x3], $0x80, v3, vm1, $0xb8;
	[tilespmem:$0x18100] =	vst v63  }
0x54: {  	v3 =	vld [tilespmem:$0x10];
	_ =	sdelay $0x4  }
0x55: {  	v49 =	vshrl.u32 v3, $0x3  }
0x56: {  	v4 =	vmul.u32 $0x18, v49  }
0x57: {  	v3 =	vand.u32 $0x7, v3  }
0x58: {  	v3 =	vor.u32 v3, v4  }
0x59: {  	v4 =	vperm.xlane v3, v0;
	_ =	sdelay $0x1  }
0x5a: {  	v4 =	vadd.s32 v1, v4;
	_ =	sdelay $0x1  }
0x5b: {  	v3 =	vperm.xlane v3, v2;
	_ =	sdelay $0x1  }
0x5c: {  	s1 =	rddreg [dreg:$0xb];
	v3 =	vadd.s32 v1, v3  }
0x5d: {  	[hbm4b:s3+s2] =	stream.indirect_vreg.scatter [tilespmem:s1], [sflag:$0x3], $0x80, v4, vm0, $0xb8;
	[tilespmem:$0x18100] =	vst v63  }
0x5e: {  	s11 =	rddreg [dreg:$0xc]  }
0x5f: {  	[hbm4b:s4+s2] =	stream.indirect_vreg.scatter [tilespmem:s11], [sflag:$0x3], $0x80, v4, vm1, $0xb8;
	[tilespmem:$0x18100] =	vst v63  }
0x60: {  	s1 =	rddreg [dreg:$0xd]  }
0x61: {  	[hbm4b:s3+s2] =	stream.indirect_vreg.scatter [tilespmem:s1], [sflag:$0x3], $0x80, v3, vm0, $0xb8;
	[tilespmem:$0x18100] =	vst v63  }
0x62: {  	s11 =	rddreg [dreg:$0xe]  }
0x63: {  	[hbm4b:s4+s2] =	stream.indirect_vreg.scatter [tilespmem:s11], [sflag:$0x3], $0x80, v3, vm1, $0xb8;
	[tilespmem:$0x18100] =	vst v63  }
0x64: {  	v3 =	vld [tilespmem:$0x20];
	_ =	sdelay $0x4  }
0x65: {  	v50 =	vshrl.u32 v3, $0x3  }
0x66: {  	v4 =	vmul.u32 $0x18, v50  }
0x67: {  	v3 =	vand.u32 $0x7, v3  }
0x68: {  	v3 =	vor.u32 v3, v4  }
0x69: {  	v4 =	vperm.xlane v3, v0;
	_ =	sdelay $0x1  }
0x6a: {  	v4 =	vadd.s32 v1, v4;
	_ =	sdelay $0x1  }
0x6b: {  	v3 =	vperm.xlane v3, v2;
	_ =	sdelay $0x1  }
0x6c: {  	s1 =	rddreg [dreg:$0xf];
	v3 =	vadd.s32 v1, v3  }
0x6d: {  	[hbm4b:s3+s2] =	stream.indirect_vreg.scatter [tilespmem:s1], [sflag:$0x3], $0x80, v4, vm0, $0xb8;
	[tilespmem:$0x18100] =	vst v63  }
0x6e: {  	s11 =	rddreg [dreg:$0x10]  }
0x6f: {  	[hbm4b:s4+s2] =	stream.indirect_vreg.scatter [tilespmem:s11], [sflag:$0x3], $0x80, v4, vm1, $0xb8;
	[tilespmem:$0x18100] =	vst v63  }
0x70: {  	s1 =	rddreg [dreg:$0x11]  }
0x71: {  	[hbm4b:s3+s2] =	stream.indirect_vreg.scatter [tilespmem:s1], [sflag:$0x3], $0x80, v3, vm0, $0xb8;
	[tilespmem:$0x18100] =	vst v63  }
0x72: {  	s11 =	rddreg [dreg:$0x12]  }
0x73: {  	[hbm4b:s4+s2] =	stream.indirect_vreg.scatter [tilespmem:s11], [sflag:$0x3], $0x80, v3, vm1, $0xb8;
	[tilespmem:$0x18100] =	vst v63  }
0x74: {  	v3 =	vld [tilespmem:$0x30];
	_ =	sdelay $0x4  }
0x75: {  	v51 =	vshrl.u32 v3, $0x3  }
0x76: {  	v4 =	vmul.u32 $0x18, v51  }
0x77: {  	v3 =	vand.u32 $0x7, v3  }
0x78: {  	v3 =	vor.u32 v3, v4  }
0x79: {  	v4 =	vperm.xlane v3, v0;
	_ =	sdelay $0x1  }
0x7a: {  	v4 =	vadd.s32 v1, v4;
	_ =	sdelay $0x1  }
0x7b: {  	v3 =	vperm.xlane v3, v2;
	_ =	sdelay $0x1  }
0x7c: {  	s1 =	rddreg [dreg:$0x13];
	v3 =	vadd.s32 v1, v3  }
0x7d: {  	[hbm4b:s3+s2] =	stream.indirect_vreg.scatter [tilespmem:s1], [sflag:$0x3], $0x80, v4, vm0, $0xb8;
	[tilespmem:$0x18100] =	vst v63  }
0x7e: {  	s11 =	rddreg [dreg:$0x14]  }
0x7f: {  	[hbm4b:s4+s2] =	stream.indirect_vreg.scatter [tilespmem:s11], [sflag:$0x3], $0x80, v4, vm1, $0xb8;
	[tilespmem:$0x18100] =	vst v63  }
0x80: {  	s1 =	rddreg [dreg:$0x15]  }
0x81: {  	[hbm4b:s3+s2] =	stream.indirect_vreg.scatter [tilespmem:s1], [sflag:$0x3], $0x80, v3, vm0, $0xb8;
	[tilespmem:$0x18100] =	vst v63  }
0x82: {  	s11 =	rddreg [dreg:$0x16]  }
0x83: {  	[hbm4b:s4+s2] =	stream.indirect_vreg.scatter [tilespmem:s11], [sflag:$0x3], $0x80, v3, vm1, $0xb8;
	[tilespmem:$0x18100] =	vst v63  }
0x84: {  	v3 =	vld [tilespmem:$0x40];
	_ =	sdelay $0x4  }
0x85: {  	v52 =	vshrl.u32 v3, $0x3  }
0x86: {  	v4 =	vmul.u32 $0x18, v52  }
0x87: {  	v3 =	vand.u32 $0x7, v3  }
0x88: {  	v3 =	vor.u32 v3, v4  }
0x89: {  	v4 =	vperm.xlane v3, v0;
	_ =	sdelay $0x1  }
0x8a: {  	v4 =	vadd.s32 v1, v4;
	_ =	sdelay $0x1  }
0x8b: {  	v3 =	vperm.xlane v3, v2;
	_ =	sdelay $0x1  }
0x8c: {  	s1 =	rddreg [dreg:$0x17];
	v3 =	vadd.s32 v1, v3  }
0x8d: {  	[hbm4b:s3+s2] =	stream.indirect_vreg.scatter [tilespmem:s1], [sflag:$0x3], $0x80, v4, vm0, $0xb8;
	[tilespmem:$0x18100] =	vst v63  }
0x8e: {  	s11 =	rddreg [dreg:$0x18]  }
0x8f: {  	[hbm4b:s4+s2] =	stream.indirect_vreg.scatter [tilespmem:s11], [sflag:$0x3], $0x80, v4, vm1, $0xb8;
	[tilespmem:$0x18100] =	vst v63  }
0x90: {  	s1 =	rddreg [dreg:$0x19]  }
0x91: {  	[hbm4b:s3+s2] =	stream.indirect_vreg.scatter [tilespmem:s1], [sflag:$0x3], $0x80, v3, vm0, $0xb8;
	[tilespmem:$0x18100] =	vst v63  }
0x92: {  	s11 =	rddreg [dreg:$0x1a]  }
0x93: {  	[hbm4b:s4+s2] =	stream.indirect_vreg.scatter [tilespmem:s11], [sflag:$0x3], $0x80, v3, vm1, $0xb8;
	[tilespmem:$0x18100] =	vst v63  }
0x94: {  	v3 =	vld [tilespmem:$0x50];
	_ =	sdelay $0x4  }
0x95: {  	v53 =	vshrl.u32 v3, $0x3  }
0x96: {  	v4 =	vmul.u32 $0x18, v53  }
0x97: {  	v3 =	vand.u32 $0x7, v3  }
0x98: {  	v3 =	vor.u32 v3, v4  }
0x99: {  	v4 =	vperm.xlane v3, v0;
	_ =	sdelay $0x1  }
0x9a: {  	v4 =	vadd.s32 v1, v4;
	_ =	sdelay $0x1  }
0x9b: {  	v3 =	vperm.xlane v3, v2;
	_ =	sdelay $0x1  }
0x9c: {  	s1 =	rddreg [dreg:$0x1b];
	v3 =	vadd.s32 v1, v3  }
0x9d: {  	[hbm4b:s3+s2] =	stream.indirect_vreg.scatter [tilespmem:s1], [sflag:$0x3], $0x80, v4, vm0, $0xb8;
	[tilespmem:$0x18100] =	vst v63  }
0x9e: {  	s11 =	rddreg [dreg:$0x1c]  }
0x9f: {  	[hbm4b:s4+s2] =	stream.indirect_vreg.scatter [tilespmem:s11], [sflag:$0x3], $0x80, v4, vm1, $0xb8;
	[tilespmem:$0x18100] =	vst v63  }
0xa0: {  	s1 =	rddreg [dreg:$0x1d]  }
0xa1: {  	[hbm4b:s3+s2] =	stream.indirect_vreg.scatter [tilespmem:s1], [sflag:$0x3], $0x80, v3, vm0, $0xb8;
	[tilespmem:$0x18100] =	vst v63  }
0xa2: {  	s11 =	rddreg [dreg:$0x1e]  }
0xa3: {  	[hbm4b:s4+s2] =	stream.indirect_vreg.scatter [tilespmem:s11], [sflag:$0x3], $0x80, v3, vm1, $0xb8;
	[tilespmem:$0x18100] =	vst v63  }
0xa4: {  	v3 =	vld [tilespmem:$0x60];
	_ =	sdelay $0x4  }
0xa5: {  	v54 =	vshrl.u32 v3, $0x3  }
0xa6: {  	v4 =	vmul.u32 $0x18, v54  }
0xa7: {  	v3 =	vand.u32 $0x7, v3  }
0xa8: {  	v3 =	vor.u32 v3, v4  }
0xa9: {  	v4 =	vperm.xlane v3, v0;
	_ =	sdelay $0x1  }
0xaa: {  	v4 =	vadd.s32 v1, v4;
	_ =	sdelay $0x1  }
0xab: {  	v3 =	vperm.xlane v3, v2  }
0xac: {  	s1 =	rddreg [dreg:$0x1f]  }
0xad: {  	s11 =	sld [smem:$0x7ED];
	v3 =	vadd.s32 v1, v3  }
0xae: {  	[hbm4b:s3+s2] =	stream.indirect_vreg.scatter [tilespmem:s1], [sflag:$0x3], $0x80, v4, vm0, $0xb8;
	[tilespmem:$0x18100] =	vst v63  }
0xaf: {  	s1 =	sld [smem:$0x7EE]  }
0xb0: {  	[hbm4b:s4+s2] =	stream.indirect_vreg.scatter [tilespmem:s11], [sflag:$0x3], $0x80, v4, vm1, $0xb8;
	[tilespmem:$0x18100] =	vst v63  }
0xb1: {  	s11 =	sld [smem:$0x7EF]  }
0xb2: {  	[hbm4b:s3+s2] =	stream.indirect_vreg.scatter [tilespmem:s1], [sflag:$0x3], $0x80, v3, vm0, $0xb8;
	[tilespmem:$0x18100] =	vst v63  }
0xb3: {  	_ = 	snop  }
0xb4: {  	[hbm4b:s4+s2] =	stream.indirect_vreg.scatter [tilespmem:s11], [sflag:$0x3], $0x80, v3, vm1, $0xb8;
	[tilespmem:$0x18100] =	vst v63  }
0xb5: {  	v3 =	vld [tilespmem:$0x70];
	_ =	sdelay $0x4  }
0xb6: {  	v55 =	vshrl.u32 v3, $0x3  }
0xb7: {  	v4 =	vmul.u32 $0x18, v55  }
0xb8: {  	v3 =	vand.u32 $0x7, v3  }
0xb9: {  	v3 =	vor.u32 v3, v4  }
0xba: {  	v4 =	vperm.xlane v3, v0;
	_ =	sdelay $0x1  }
0xbb: {  	v4 =	vadd.s32 v1, v4;
	_ =	sdelay $0x1  }
0xbc: {  	s1 =	sld [smem:$0x7F0];
	v3 =	vperm.xlane v3, v2;
	_ =	sdelay $0x1  }
0xbd: {  	s11 =	sld [smem:$0x7F1];
	v3 =	vadd.s32 v1, v3  }
0xbe: {  	[hbm4b:s3+s2] =	stream.indirect_vreg.scatter [tilespmem:s1], [sflag:$0x3], $0x80, v4, vm0, $0xb8;
	[tilespmem:$0x18100] =	vst v63  }
0xbf: {  	s1 =	sld [smem:$0x7F2]  }
0xc0: {  	[hbm4b:s4+s2] =	stream.indirect_vreg.scatter [tilespmem:s11], [sflag:$0x3], $0x80, v4, vm1, $0xb8;
	[tilespmem:$0x18100] =	vst v63  }
0xc1: {  	s11 =	sld [smem:$0x7F3]  }
0xc2: {  	[hbm4b:s3+s2] =	stream.indirect_vreg.scatter [tilespmem:s1], [sflag:$0x3], $0x80, v3, vm0, $0xb8;
	[tilespmem:$0x18100] =	vst v63  }
0xc3: {  	_ = 	snop  }
0xc4: {  	[hbm4b:s4+s2] =	stream.indirect_vreg.scatter [tilespmem:s11], [sflag:$0x3], $0x80, v3, vm1, $0xb8;
	[tilespmem:$0x18100] =	vst v63  }
0xc5: {  	_ =	swait.ge [sflag:s6], $0xC000  }
0xc6: {  	[sflag:s6] =	ssyncset.done $0x0  }
0xc7: {  	[sflag:s6] =	ssyncadd.s32 $0xFFFF4000  }
0xc8: {  	_ =	swait.ge [sflag:s10], $0xC000  }
0xc9: {  	[sflag:s10] =	ssyncset.done $0x0  }
0xca: {  	[sflag:s10] =	ssyncadd.s32 $0xFFFF4000  }
0xcb: {  	v3 =	vld [tilespmem:$0x80];
	_ =	sdelay $0x4  }
0xcc: {  	v56 =	vshrl.u32 v3, $0x3  }
0xcd: {  	v4 =	vmul.u32 $0x18, v56  }
0xce: {  	v3 =	vand.u32 $0x7, v3  }
0xcf: {  	v3 =	vor.u32 v3, v4  }
0xd0: {  	v4 =	vperm.xlane v3, v0;
	_ =	sdelay $0x1  }
0xd1: {  	v4 =	vadd.s32 v1, v4;
	_ =	sdelay $0x1  }
0xd2: {  	v3 =	vperm.xlane v3, v2;
	_ =	sdelay $0x1  }
0xd3: {  	s1 =	sld [smem:$0x7F4];
	v3 =	vadd.s32 v1, v3  }
0xd4: {  	[hbm4b:s3+s2] =	stream.indirect_vreg.scatter [tilespmem:s8], [sflag:$0x3], $0x80, v4, vm0, $0xb8;
	[tilespmem:$0x18100] =	vst v63  }
0xd5: {  	s11 =	sld [smem:$0x7F5]  }
0xd6: {  	[hbm4b:s4+s2] =	stream.indirect_vreg.scatter [tilespmem:s1], [sflag:$0x3], $0x80, v4, vm1, $0xb8;
	[tilespmem:$0x18100] =	vst v63  }
0xd7: {  	s1 =	sld [smem:$0x7F6]  }
0xd8: {  	[hbm4b:s3+s2] =	stream.indirect_vreg.scatter [tilespmem:s11], [sflag:$0x3], $0x80, v3, vm0, $0xb8;
	[tilespmem:$0x18100] =	vst v63  }
0xd9: {  	_ = 	snop  }
0xda: {  	[hbm4b:s4+s2] =	stream.indirect_vreg.scatter [tilespmem:s1], [sflag:$0x3], $0x80, v3, vm1, $0xb8;
	[tilespmem:$0x18100] =	vst v63  }
0xdb: {  	v3 =	vld [tilespmem:$0x90];
	_ =	sdelay $0x4  }
0xdc: {  	v57 =	vshrl.u32 v3, $0x3  }
0xdd: {  	v4 =	vmul.u32 $0x18, v57  }
0xde: {  	v3 =	vand.u32 $0x7, v3  }
0xdf: {  	v3 =	vor.u32 v3, v4  }
0xe0: {  	v4 =	vperm.xlane v3, v0;
	_ =	sdelay $0x1  }
0xe1: {  	v4 =	vadd.s32 v1, v4;
	_ =	sdelay $0x1  }
0xe2: {  	s1 =	sld [smem:$0x7F7];
	v3 =	vperm.xlane v3, v2;
	_ =	sdelay $0x1  }
0xe3: {  	s11 =	sld [smem:$0x7F8];
	v3 =	vadd.s32 v1, v3  }
0xe4: {  	[hbm4b:s3+s2] =	stream.indirect_vreg.scatter [tilespmem:s1], [sflag:$0x3], $0x80, v4, vm0, $0xb8;
	[tilespmem:$0x18100] =	vst v63  }
0xe5: {  	s1 =	sld [smem:$0x7F9]  }
0xe6: {  	[hbm4b:s4+s2] =	stream.indirect_vreg.scatter [tilespmem:s11], [sflag:$0x3], $0x80, v4, vm1, $0xb8;
	[tilespmem:$0x18100] =	vst v63  }
0xe7: {  	s11 =	sld [smem:$0x7FA]  }
0xe8: {  	[hbm4b:s3+s2] =	stream.indirect_vreg.scatter [tilespmem:s1], [sflag:$0x3], $0x80, v3, vm0, $0xb8;
	[tilespmem:$0x18100] =	vst v63  }
0xe9: {  	_ = 	snop  }
0xea: {  	[hbm4b:s4+s2] =	stream.indirect_vreg.scatter [tilespmem:s11], [sflag:$0x3], $0x80, v3, vm1, $0xb8;
	[tilespmem:$0x18100] =	vst v63  }
0xeb: {  	v3 =	vld [tilespmem:$0xA0];
	_ =	sdelay $0x4  }
0xec: {  	v58 =	vshrl.u32 v3, $0x3  }
0xed: {  	v4 =	vmul.u32 $0x18, v58  }
0xee: {  	v3 =	vand.u32 $0x7, v3  }
0xef: {  	v3 =	vor.u32 v3, v4  }
0xf0: {  	v4 =	vperm.xlane v3, v0;
	_ =	sdelay $0x1  }
0xf1: {  	v4 =	vadd.s32 v1, v4;
	_ =	sdelay $0x1  }
0xf2: {  	s1 =	sld [smem:$0x7FB];
	v3 =	vperm.xlane v3, v2;
	_ =	sdelay $0x1  }
0xf3: {  	s11 =	sld [smem:$0x7FC];
	v3 =	vadd.s32 v1, v3  }
0xf4: {  	[hbm4b:s3+s2] =	stream.indirect_vreg.scatter [tilespmem:s1], [sflag:$0x3], $0x80, v4, vm0, $0xb8;
	[tilespmem:$0x18100] =	vst v63  }
0xf5: {  	s1 =	sld [smem:$0x7FD]  }
0xf6: {  	[hbm4b:s4+s2] =	stream.indirect_vreg.scatter [tilespmem:s11], [sflag:$0x3], $0x80, v4, vm1, $0xb8;
	[tilespmem:$0x18100] =	vst v63  }
0xf7: {  	_ = 	snop  }
0xf8: {  	[hbm4b:s3+s2] =	stream.indirect_vreg.scatter [tilespmem:s1], [sflag:$0x3], $0x80, v3, vm0, $0xb8;
	[tilespmem:$0x18100] =	vst v63  }
0xf9: {  	s11 =	simm.s32 $0x10500  }
0xfa: {  	[hbm4b:s4+s2] =	stream.indirect_vreg.scatter [tilespmem:s11], [sflag:$0x3], $0x80, v3, vm1, $0xb8;
	[tilespmem:$0x18100] =	vst v63  }
0xfb: {  	v3 =	vld [tilespmem:$0xB0];
	_ =	sdelay $0x4  }
0xfc: {  	v59 =	vshrl.u32 v3, $0x3  }
0xfd: {  	v4 =	vmul.u32 $0x18, v59  }
0xfe: {  	v3 =	vand.u32 $0x7, v3  }
0xff: {  	v3 =	vor.u32 v3, v4  }
0x100: {  	v4 =	vperm.xlane v3, v0;
	_ =	sdelay $0x1  }
0x101: {  	v4 =	vadd.s32 v1, v4;
	_ =	sdelay $0x1  }
0x102: {  	v3 =	vperm.xlane v3, v2;
	_ =	sdelay $0x1  }
0x103: {  	v3 =	vadd.s32 v1, v3  }
0x104: {  	[hbm4b:s3+s2] =	stream.indirect_vreg.scatter [tilespmem:s12], [sflag:$0x3], $0x80, v4, vm0, $0xb8;
	[tilespmem:$0x18100] =	vst v63  }
0x105: {  	_ = 	snop  }
0x106: {  	[hbm4b:s4+s2] =	stream.indirect_vreg.scatter [tilespmem:s13], [sflag:$0x3], $0x80, v4, vm1, $0xb8;
	[tilespmem:$0x18100] =	vst v63  }
0x107: {  	_ = 	snop  }
0x108: {  	[hbm4b:s3+s2] =	stream.indirect_vreg.scatter [tilespmem:s14], [sflag:$0x3], $0x80, v3, vm0, $0xb8;
	[tilespmem:$0x18100] =	vst v63  }
0x109: {  	_ = 	snop  }
0x10a: {  	[hbm4b:s4+s2] =	stream.indirect_vreg.scatter [tilespmem:s15], [sflag:$0x3], $0x80, v3, vm1, $0xb8;
	[tilespmem:$0x18100] =	vst v63  }
0x10b: {  	v3 =	vld [tilespmem:$0xC0];
	_ =	sdelay $0x4  }
0x10c: {  	v60 =	vshrl.u32 v3, $0x3  }
0x10d: {  	v4 =	vmul.u32 $0x18, v60  }
0x10e: {  	v3 =	vand.u32 $0x7, v3  }
0x10f: {  	v3 =	vor.u32 v3, v4  }
0x110: {  	v4 =	vperm.xlane v3, v0;
	_ =	sdelay $0x1  }
0x111: {  	v4 =	vadd.s32 v1, v4;
	_ =	sdelay $0x1  }
0x112: {  	v3 =	vperm.xlane v3, v2;
	_ =	sdelay $0x1  }
0x113: {  	v3 =	vadd.s32 v1, v3  }
0x114: {  	[hbm4b:s3+s2] =	stream.indirect_vreg.scatter [tilespmem:s16], [sflag:$0x3], $0x80, v4, vm0, $0xb8;
	[tilespmem:$0x18100] =	vst v63  }
0x115: {  	_ = 	snop  }
0x116: {  	[hbm4b:s4+s2] =	stream.indirect_vreg.scatter [tilespmem:s17], [sflag:$0x3], $0x80, v4, vm1, $0xb8;
	[tilespmem:$0x18100] =	vst v63  }
0x117: {  	_ = 	snop  }
0x118: {  	[hbm4b:s3+s2] =	stream.indirect_vreg.scatter [tilespmem:s18], [sflag:$0x3], $0x80, v3, vm0, $0xb8;
	[tilespmem:$0x18100] =	vst v63  }
0x119: {  	_ = 	snop  }
0x11a: {  	[hbm4b:s4+s2] =	stream.indirect_vreg.scatter [tilespmem:s19], [sflag:$0x3], $0x80, v3, vm1, $0xb8;
	[tilespmem:$0x18100] =	vst v63  }
0x11b: {  	v3 =	vld [tilespmem:$0xD0];
	_ =	sdelay $0x4  }
0x11c: {  	v61 =	vshrl.u32 v3, $0x3  }
0x11d: {  	v4 =	vmul.u32 $0x18, v61  }
0x11e: {  	v3 =	vand.u32 $0x7, v3  }
0x11f: {  	v3 =	vor.u32 v3, v4  }
0x120: {  	v4 =	vperm.xlane v3, v0;
	_ =	sdelay $0x1  }
0x121: {  	v4 =	vadd.s32 v1, v4;
	_ =	sdelay $0x1  }
0x122: {  	v3 =	vperm.xlane v3, v2;
	_ =	sdelay $0x1  }
0x123: {  	v3 =	vadd.s32 v1, v3  }
0x124: {  	[hbm4b:s3+s2] =	stream.indirect_vreg.scatter [tilespmem:s20], [sflag:$0x3], $0x80, v4, vm0, $0xb8;
	[tilespmem:$0x18100] =	vst v63  }
0x125: {  	_ = 	snop  }
0x126: {  	[hbm4b:s4+s2] =	stream.indirect_vreg.scatter [tilespmem:s21], [sflag:$0x3], $0x80, v4, vm1, $0xb8;
	[tilespmem:$0x18100] =	vst v63  }
0x127: {  	_ = 	snop  }
0x128: {  	[hbm4b:s3+s2] =	stream.indirect_vreg.scatter [tilespmem:s22], [sflag:$0x3], $0x80, v3, vm0, $0xb8;
	[tilespmem:$0x18100] =	vst v63  }
0x129: {  	_ = 	snop  }
0x12a: {  	[hbm4b:s4+s2] =	stream.indirect_vreg.scatter [tilespmem:s23], [sflag:$0x3], $0x80, v3, vm1, $0xb8;
	[tilespmem:$0x18100] =	vst v63  }
0x12b: {  	v3 =	vld [tilespmem:$0xE0];
	_ =	sdelay $0x4  }
0x12c: {  	v62 =	vshrl.u32 v3, $0x3  }
0x12d: {  	v4 =	vmul.u32 $0x18, v62  }
0x12e: {  	v3 =	vand.u32 $0x7, v3  }
0x12f: {  	v3 =	vor.u32 v3, v4  }
0x130: {  	v4 =	vperm.xlane v3, v0;
	_ =	sdelay $0x1  }
0x131: {  	v4 =	vadd.s32 v1, v4;
	_ =	sdelay $0x1  }
0x132: {  	v3 =	vperm.xlane v3, v2;
	_ =	sdelay $0x1  }
0x133: {  	v3 =	vadd.s32 v1, v3  }
0x134: {  	[hbm4b:s3+s2] =	stream.indirect_vreg.scatter [tilespmem:s24], [sflag:$0x3], $0x80, v4, vm0, $0xb8;
	[tilespmem:$0x18100] =	vst v63  }
0x135: {  	_ = 	snop  }
0x136: {  	[hbm4b:s4+s2] =	stream.indirect_vreg.scatter [tilespmem:s25], [sflag:$0x3], $0x80, v4, vm1, $0xb8;
	[tilespmem:$0x18100] =	vst v63  }
0x137: {  	_ = 	snop  }
0x138: {  	[hbm4b:s3+s2] =	stream.indirect_vreg.scatter [tilespmem:s26], [sflag:$0x3], $0x80, v3, vm0, $0xb8;
	[tilespmem:$0x18100] =	vst v63  }
0x139: {  	_ = 	snop  }
0x13a: {  	[hbm4b:s4+s2] =	stream.indirect_vreg.scatter [tilespmem:s28], [sflag:$0x3], $0x80, v3, vm1, $0xb8;
	[tilespmem:$0x18100] =	vst v63  }
0x13b: {  	v3 =	vld [tilespmem:$0xF0];
	_ =	sdelay $0x4  }
0x13c: {  	v63 =	vshrl.u32 v3, $0x3  }
0x13d: {  	v4 =	vmul.u32 $0x18, v63  }
0x13e: {  	v3 =	vand.u32 $0x7, v3  }
0x13f: {  	v3 =	vor.u32 v3, v4  }
0x140: {  	v4 =	vperm.xlane v3, v0;
	_ =	sdelay $0x1  }
0x141: {  	v4 =	vadd.s32 v1, v4;
	_ =	sdelay $0x1  }
0x142: {  	v3 =	vperm.xlane v3, v2;
	_ =	sdelay $0x1  }
0x143: {  	v3 =	vadd.s32 v1, v3  }
0x144: {  	[hbm4b:s3+s2] =	stream.indirect_vreg.scatter [tilespmem:s29], [sflag:$0x3], $0x80, v4, vm0, $0xb8;
	[tilespmem:$0x18100] =	vst v63  }
0x145: {  	_ = 	snop  }
0x146: {  	[hbm4b:s4+s2] =	stream.indirect_vreg.scatter [tilespmem:s30], [sflag:$0x3], $0x80, v4, vm1, $0xb8;
	[tilespmem:$0x18100] =	vst v63  }
0x147: {  	p0 =	sne.s32 s5, $0x1  }
0x148: {  	[hbm4b:s3+s2] =	stream.indirect_vreg.scatter [tilespmem:s31], [sflag:$0x3], $0x80, v3, vm0, $0xb8;
	[tilespmem:$0x18100] =	vst v63  }
.Ltmp0:
0x149: {  	_ = 	snop;
	(pc) =	sbr.rel @p0 .LBB2_1-.Ltmp0, $4  }
0x14a: {  	[hbm4b:s4+s2] =	stream.indirect_vreg.scatter [tilespmem:s0], [sflag:$0x3], $0x80, v3, vm1, $0xb8;
	[tilespmem:$0x18100] =	vst v63  }
0x14b: {  	_ =	swait.ge [sflag:s6], $0xC000  }
0x14c: {  	[sflag:s6] =	ssyncset.done $0x0  }
0x14d: {  	s5 =	sadd.s32 $0xFFFFFFFF, s5;
	[sflag:s6] =	ssyncadd.s32 $0xFFFF4000  }
0x14e: {  	_ =	sfence.sel $0x180000  }
0x14f: {  	[bflag:$0x0] =	sbarrier.arrive $0xFFFF  }
0x150: {  	_ =	strace $0x90000047  }
0x151: {  	s0 =	stileid.u32;
	[bflag:$0x2] =	sbarrier.arrive $0xFFFF  }
0x152: {  	p0 =	sne.s32 s0, $0x0;
	s0 =	rddreg [dreg:$0x2]  }
0x153: {  	s0 =	sadd.s32 @!p0 $0x100000, s0  }
0x154: {  	[sflag:s0] =	ssyncadd.tile.s32 @!p0 $0x1;
	_ =	shalt  }
.Lfunc_end2:
_tile_overlayer_lowered:
.L_overlay_start_2:
0x155: {  	(tag) =	ssettag $0x2  }
0x156: {  	s0 =	rddreg [dreg:$0x0];
	s2 =	stileid.u32  }
0x157: {  	s1 =	rddreg [dreg:$0x1];
	p0 =	sne.s32 s2, $0x0  }
0x158: {  	s3 =	rddreg [dreg:$0x2];
	[bflag:$0x3] =	sbarrier.arrive $0xFFFF;
	s2 =	simm.s32 @!p0 $0x1C03  }
0x159: {  	[timem:s3], [sflag:s2] =	dma.local @!p0 [hbm:s0], s1  }
0x15a: {  	s0 =	simm.s32 @!p0 $0x3  }
0x15b: {  	_ =	swait.ge @!p0 [sflag:s0], s1  }
0x15c: {  	s1 =	ssub.s32 @!p0 $0x0, s1;
	[sflag:s0] =	ssyncset.done @!p0 $0x0  }
0x15d: {  	[sflag:s0] =	ssyncadd.s32 @!p0 s1  }
0x15e: {  	[bflag:$0x3] =	sbarrier.arrive $0xFFFF  }
0x15f: {  	_ =	shalt  }

</sc_bundles>
